<compile_context>
chip_gen: v7x
topology: tpu7x:2x2x1
jax: 0.10.2.dev20260603
libtpu: 0.0.44.dev20260713+nightly
codegen_flags: <defaults>
</compile_context>

<pallas_src>
import functools

import jax
import jax.numpy as jnp
from jax import lax
from jax.experimental import pallas as pl
from jax.experimental.pallas import tpu as pltpu
from jax.experimental.pallas import tpu_sc as plsc

B, S, D = 2, 2048, 1024
H = 256
E = 8
K = 2

TS_GATE = 512
TS_EXP = 256

INTERPRET = False


def _gate_kernel(x_ref, wg_ref, bg_ref, gated_ref, psum_ref):
    x = x_ref[0]
    g = jax.nn.sigmoid(
        jnp.dot(x, wg_ref[...], preferred_element_type=jnp.float32)
        + bg_ref[0]
    )
    gt = x * g
    gated_ref[0] = gt.astype(jnp.bfloat16)
    part = jnp.sum(gt, axis=0, keepdims=True)

    @pl.when(pl.program_id(1) == 0)
    def _():
        psum_ref[0] = part

    @pl.when(pl.program_id(1) != 0)
    def _():
        psum_ref[0] += part


def _mlp_kernel(ps_ref, w1_ref, b1_ref, w2_ref, b2_ref, logits_ref):
    pooled = ps_ref[:, 0, :] * (1.0 / S)
    h = jnp.tanh(
        jnp.dot(pooled, w1_ref[...], preferred_element_type=jnp.float32)
        + b1_ref[0]
    )
    logits_ref[...] = (
        jnp.dot(h, w2_ref[...], preferred_element_type=jnp.float32)
        + b2_ref[0]
    )


def _sgather(x, idx):
    return x.at[idx].get(mode="promise_in_bounds")


def _seg_reduce(v, lane, op):
    for off in (1, 2, 4):
        v = op(v, _sgather(v, lane ^ off))
    return v


def _sc_router_body(logits_hbm, gains_hbm, probs_hbm, lv, gv, pv):
    @pl.when((lax.axis_index("c") == 0) & (lax.axis_index("s") == 0))
    def _():
        pltpu.sync_copy(logits_hbm, lv)
        x = lv[...]
        lane = lax.iota(jnp.int32, 16)
        lane8 = lane & 7
        m = _seg_reduce(x, lane, jnp.maximum)
        ex = jnp.exp(x - m)
        ssum = _seg_reduce(ex, lane, jnp.add)
        probs = ex / ssum
        pv[...] = probs
        v1 = _seg_reduce(probs, lane, jnp.maximum)
        i1 = _seg_reduce(jnp.where(probs == v1, lane8, E), lane, jnp.minimum)
        masked = jnp.where(lane8 == i1, -jnp.inf, probs)
        v2 = _seg_reduce(masked, lane, jnp.maximum)
        i2 = _seg_reduce(jnp.where(masked == v2, lane8, E), lane, jnp.minimum)
        wsum = v1 + v2 + 1e-9
        gv[...] = (jnp.where(lane8 == i1, v1 / wsum, 0.0)
                   + jnp.where(lane8 == i2, v2 / wsum, 0.0))
        pltpu.sync_copy(pv, probs_hbm)
        pltpu.sync_copy(gv, gains_hbm)


_sc_router = functools.partial(
    pl.kernel,
    out_type=[
        jax.ShapeDtypeStruct((B * E,), jnp.float32),
        jax.ShapeDtypeStruct((B * E,), jnp.float32),
    ],
    mesh=plsc.VectorSubcoreMesh(core_axis_name="c", subcore_axis_name="s"),
    scratch_types=[
        pltpu.VMEM((B * E,), jnp.float32),
        pltpu.VMEM((B * E,), jnp.float32),
        pltpu.VMEM((B * E,), jnp.float32),
    ],
)(_sc_router_body)


def _expand_kernel(gains_ref, gated_ref, out_ref):
    b = pl.program_id(0)
    gt = gated_ref[0].astype(jnp.float32)
    for e in range(E):
        out_ref[e, 0] = gt * gains_ref[b, e]


def kernel(x, Wg, bg, W1, b1, W2, b2):
    bg2 = bg.reshape(1, D)
    b12 = b1.reshape(1, H)
    b22 = b2.reshape(1, E)

    gated, psum = pl.pallas_call(
        _gate_kernel,
        grid=(B, S // TS_GATE),
        in_specs=[
            pl.BlockSpec((1, TS_GATE, D), lambda b, s: (b, s, 0)),
            pl.BlockSpec((D, D), lambda b, s: (0, 0)),
            pl.BlockSpec((1, D), lambda b, s: (0, 0)),
        ],
        out_specs=[
            pl.BlockSpec((1, TS_GATE, D), lambda b, s: (b, s, 0)),
            pl.BlockSpec((1, 1, D), lambda b, s: (b, 0, 0)),
        ],
        out_shape=[
            jax.ShapeDtypeStruct((B, S, D), jnp.bfloat16),
            jax.ShapeDtypeStruct((B, 1, D), jnp.float32),
        ],
        interpret=INTERPRET,
    )(x, Wg, bg2)

    logits = pl.pallas_call(
        _mlp_kernel,
        in_specs=[
            pl.BlockSpec((B, 1, D), lambda: (0, 0, 0)),
            pl.BlockSpec((D, H), lambda: (0, 0)),
            pl.BlockSpec((1, H), lambda: (0, 0)),
            pl.BlockSpec((H, E), lambda: (0, 0)),
            pl.BlockSpec((1, E), lambda: (0, 0)),
        ],
        out_specs=pl.BlockSpec((B, E), lambda: (0, 0)),
        out_shape=jax.ShapeDtypeStruct((B, E), jnp.float32),
        interpret=INTERPRET,
    )(psum, W1, b12, W2, b22)

    gains_flat, probs_flat = _sc_router(logits.reshape(B * E))
    gains = gains_flat.reshape(B, E)
    probs = probs_flat.reshape(B, E)

    routed = pl.pallas_call(
        _expand_kernel,
        grid=(B, S // TS_EXP),
        in_specs=[
            pl.BlockSpec(memory_space=pltpu.SMEM),
            pl.BlockSpec((1, TS_EXP, D), lambda b, s: (b, s, 0)),
        ],
        out_specs=pl.BlockSpec((E, 1, TS_EXP, D), lambda b, s: (0, b, s, 0)),
        out_shape=jax.ShapeDtypeStruct((E, B, S, D), jnp.float32),
        interpret=INTERPRET,
    )(gains, gated)

    return routed, probs

# --- scband reference (transcript-rebuilt; emitter-appended) ---
"""Pipeline reference for scband-thalamus-90314572300858 (READ-ONLY COPY).

The authoritative reference and input builder live on the scoring server;
editing this copy changes nothing except your own understanding.
"""

import jax, jax.numpy as jnp
import numpy as np

B, S, D = 2, 2048, 1024
H = 256
E = 8
K = 2


def setup_inputs(seed: int = 0) -> dict:
    key = jax.random.key(seed)
    ks = jax.random.split(key, 7)
    x = jax.random.normal(ks[0], (B, S, D), dtype=jnp.float32)
    # sensory_gate: Linear(d_model, d_model)
    Wg = jax.random.normal(ks[1], (D, D), dtype=jnp.float32) * 0.02
    bg = jnp.zeros((D,), dtype=jnp.float32)
    # LiquidMoERouter: MLP router d_model -> hidden_dim -> num_experts
    W1 = jax.random.normal(ks[2], (D, H), dtype=jnp.float32) * 0.05
    b1 = jnp.zeros((H,), dtype=jnp.float32)
    W2 = jax.random.normal(ks[3], (H, E), dtype=jnp.float32) * 0.05
    b2 = jnp.zeros((E,), dtype=jnp.float32)
    return {"x": x, "Wg": Wg, "bg": bg, "W1": W1, "b1": b1, "W2": W2, "b2": b2}


def reference(x, Wg, bg, W1, b1, W2, b2):
    # sensory gate: sigmoid(Linear(x))
    gate = jax.nn.sigmoid(jnp.einsum('bsd,de->bse', x, Wg) + bg)
    gated_input = x * gate  # [B, S, D]
    # pool over sequence for routing
    pooled_x = gated_input.mean(axis=1)  # [B, D]
    # router: hidden tanh MLP -> softmax probs -> top-k
    h = jnp.tanh(pooled_x @ W1 + b1)
    logits = h @ W2 + b2
    probs = jax.nn.softmax(logits, axis=-1)  # [B, E]
    top_vals, top_idx = jax.lax.top_k(probs, K)  # [B, K]
    weights = top_vals / (jnp.sum(top_vals, axis=-1, keepdims=True) + 1e-9)  # [B, K]
    # per-expert gain: sum_k weights[b,k] * (indices[b,k] == e)  -> [B, E]
    onehot = jax.nn.one_hot(top_idx, E, dtype=weights.dtype)  # [B, K, E]
    gains = jnp.sum(weights[..., None] * onehot, axis=1)  # [B, E]
    # routed_signals: for each region e, gated_input * gain[:, e].view(-1,1,1)
    # stacked over all E regions (unselected regions have zero gain)
    routed = gated_input[None, :, :, :] * gains.T[:, :, None, None]  # [E, B, S, D]
    return routed, probs


if False:  # reference __main__ guard neutralized (emitter)
    inp = setup_inputs()
    out = reference(**inp)
    print(out[0].shape, out[1].shape)

if __name__ == "__main__":
    import jax
    _d = setup_inputs()
    print(jax.jit(kernel)(*tuple(_d.values())))

</pallas_src>

<mosaic_0001>
#map = affine_map<(d0, d1) -> (0)>
module attributes {stable_mosaic.version = 14 : i64} {
  func.func @_sc_router_body(%arg0: i32, %arg1: i32, %arg2: memref<16xf32, #tpu.memory_space<hbm>>, %arg3: memref<16xf32, #tpu.memory_space<hbm>>, %arg4: memref<16xf32, #tpu.memory_space<hbm>>, %arg5: memref<16xf32, #tpu.memory_space<vmem>>, %arg6: memref<16xf32, #tpu.memory_space<vmem>>, %arg7: memref<16xf32, #tpu.memory_space<vmem>>) attributes {dimension_semantics = [#tpu.dimension_semantics<core_parallel>, #tpu.dimension_semantics<subcore_parallel>], iteration_bounds = array<i64: 2, 16>, scalar_prefetch = 0 : i64, scratch_operands = 3 : i64, tpu.core_type = #tpu.core_type<sc_vector_subcore>, window_params = [{transform_indices = #map}, {transform_indices = #map}, {transform_indices = #map}]} {
    %eq3A = arith.constant 0 : i32
    %eq3A_0 = arith.cmpi eq, %arg0, %eq3A : i32
    %eq3A_1 = arith.constant 0 : i32
    %eq3A_2 = arith.cmpi eq, %arg1, %eq3A_1 : i32
    %and3A = arith.andi %eq3A_0, %eq3A_2 : i1
    %convert_element_type3A = arith.extui %and3A : i1 to i32
    %cond3A = arith.constant 0 : i32
    %cond3A_3 = arith.cmpi ne, %convert_element_type3A, %cond3A : i32
    scf.if %cond3A_3 {
      "tpu.region"() ({
        %run_scoped3A = tpu.sem_alloc : memref<!tpu.dma_semaphore, #tpu.memory_space<semaphore_mem>>
        tpu.enqueue_dma source(%arg2 : memref<16xf32, #tpu.memory_space<hbm>>) target(%arg5 : memref<16xf32, #tpu.memory_space<vmem>>) target_semaphore(%run_scoped3A : memref<!tpu.dma_semaphore, #tpu.memory_space<semaphore_mem>>)
        tpu.wait_dma2 semaphore(%run_scoped3A : memref<!tpu.dma_semaphore, #tpu.memory_space<semaphore_mem>>) src(%arg2 : memref<16xf32, #tpu.memory_space<hbm>>) dst(%arg5 : memref<16xf32, #tpu.memory_space<vmem>>)
        tpu.yield
      }) : () -> ()
      %get3A = arith.constant 0 : index
      %get3A_4 = tpu.vector_load %arg5[%get3A] {strides = array<i32>} : memref<16xf32, #tpu.memory_space<vmem>>, vector<16xf32>,
      %get3A_5 = vector.shape_cast %get3A_4 : vector<16xf32> to vector<16xf32>
      %iota3A = tpu.iota {dimensions = array<i32: 0>} : vector<16xi32>
      %and3A_6 = arith.constant 7 : i32
      %and3A_7 = vector.broadcast %and3A_6 : i32 to vector<16xi32>
      %and3A_8 = arith.andi %iota3A, %and3A_7 : vector<16xi32>
      %xor3A = arith.constant 1 : i32
      %xor3A_9 = vector.broadcast %xor3A : i32 to vector<16xi32>
      %xor3A_10 = arith.xori %iota3A, %xor3A_9 : vector<16xi32>
      %lt3A = arith.constant 0 : i32
      %lt3A_11 = vector.broadcast %lt3A : i32 to vector<16xi32>
      %lt3A_12 = arith.cmpi slt, %xor3A_10, %lt3A_11 : vector<16xi32>
      %add3A = arith.constant 16 : i32
      %add3A_13 = vector.broadcast %add3A : i32 to vector<16xi32>
      %add3A_14 = arith.addi %xor3A_10, %add3A_13 : vector<16xi32>
      %select_n3A = arith.select %lt3A_12, %add3A_14, %xor3A_10 : vector<16xi1>, vector<16xi32>
      %broadcast_in_dim3A = vector.shape_cast %select_n3A : vector<16xi32> to vector<16x1xi32>
      %gather3A = vector.shape_cast %broadcast_in_dim3A : vector<16x1xi32> to vector<16xi32>
      %gather3A_15 = tpu.dynamic_gather %get3A_5[%gather3A] in [0] : vector<16xf32>, vector<16xi32> -> vector<16xf32>
      %max3A = arith.maximumf %get3A_5, %gather3A_15 : vector<16xf32>
      %xor3A_16 = arith.constant 2 : i32
      %xor3A_17 = vector.broadcast %xor3A_16 : i32 to vector<16xi32>
      %xor3A_18 = arith.xori %iota3A, %xor3A_17 : vector<16xi32>
      %lt3A_19 = arith.constant 0 : i32
      %lt3A_20 = vector.broadcast %lt3A_19 : i32 to vector<16xi32>
      %lt3A_21 = arith.cmpi slt, %xor3A_18, %lt3A_20 : vector<16xi32>
      %add3A_22 = arith.constant 16 : i32
      %add3A_23 = vector.broadcast %add3A_22 : i32 to vector<16xi32>
      %add3A_24 = arith.addi %xor3A_18, %add3A_23 : vector<16xi32>
      %select_n3A_25 = arith.select %lt3A_21, %add3A_24, %xor3A_18 : vector<16xi1>, vector<16xi32>
      %broadcast_in_dim3A_26 = vector.shape_cast %select_n3A_25 : vector<16xi32> to vector<16x1xi32>
      %gather3A_27 = vector.shape_cast %broadcast_in_dim3A_26 : vector<16x1xi32> to vector<16xi32>
      %gather3A_28 = tpu.dynamic_gather %max3A[%gather3A_27] in [0] : vector<16xf32>, vector<16xi32> -> vector<16xf32>
      %max3A_29 = arith.maximumf %max3A, %gather3A_28 : vector<16xf32>
      %xor3A_30 = arith.constant 4 : i32
      %xor3A_31 = vector.broadcast %xor3A_30 : i32 to vector<16xi32>
      %xor3A_32 = arith.xori %iota3A, %xor3A_31 : vector<16xi32>
      %lt3A_33 = arith.constant 0 : i32
      %lt3A_34 = vector.broadcast %lt3A_33 : i32 to vector<16xi32>
      %lt3A_35 = arith.cmpi slt, %xor3A_32, %lt3A_34 : vector<16xi32>
      %add3A_36 = arith.constant 16 : i32
      %add3A_37 = vector.broadcast %add3A_36 : i32 to vector<16xi32>
      %add3A_38 = arith.addi %xor3A_32, %add3A_37 : vector<16xi32>
      %select_n3A_39 = arith.select %lt3A_35, %add3A_38, %xor3A_32 : vector<16xi1>, vector<16xi32>
      %broadcast_in_dim3A_40 = vector.shape_cast %select_n3A_39 : vector<16xi32> to vector<16x1xi32>
      %gather3A_41 = vector.shape_cast %broadcast_in_dim3A_40 : vector<16x1xi32> to vector<16xi32>
      %gather3A_42 = tpu.dynamic_gather %max3A_29[%gather3A_41] in [0] : vector<16xf32>, vector<16xi32> -> vector<16xf32>
      %max3A_43 = arith.maximumf %max3A_29, %gather3A_42 : vector<16xf32>
      %sub3A = arith.subf %get3A_5, %max3A_43 : vector<16xf32>
      %exp3A = math.exp %sub3A : vector<16xf32>
      %xor3A_44 = arith.constant 1 : i32
      %xor3A_45 = vector.broadcast %xor3A_44 : i32 to vector<16xi32>
      %xor3A_46 = arith.xori %iota3A, %xor3A_45 : vector<16xi32>
      %lt3A_47 = arith.constant 0 : i32
      %lt3A_48 = vector.broadcast %lt3A_47 : i32 to vector<16xi32>
      %lt3A_49 = arith.cmpi slt, %xor3A_46, %lt3A_48 : vector<16xi32>
      %add3A_50 = arith.constant 16 : i32
      %add3A_51 = vector.broadcast %add3A_50 : i32 to vector<16xi32>
      %add3A_52 = arith.addi %xor3A_46, %add3A_51 : vector<16xi32>
      %select_n3A_53 = arith.select %lt3A_49, %add3A_52, %xor3A_46 : vector<16xi1>, vector<16xi32>
      %broadcast_in_dim3A_54 = vector.shape_cast %select_n3A_53 : vector<16xi32> to vector<16x1xi32>
      %gather3A_55 = vector.shape_cast %broadcast_in_dim3A_54 : vector<16x1xi32> to vector<16xi32>
      %gather3A_56 = tpu.dynamic_gather %exp3A[%gather3A_55] in [0] : vector<16xf32>, vector<16xi32> -> vector<16xf32>
      %add3A_57 = arith.addf %exp3A, %gather3A_56 : vector<16xf32>
      %xor3A_58 = arith.constant 2 : i32
      %xor3A_59 = vector.broadcast %xor3A_58 : i32 to vector<16xi32>
      %xor3A_60 = arith.xori %iota3A, %xor3A_59 : vector<16xi32>
      %lt3A_61 = arith.constant 0 : i32
      %lt3A_62 = vector.broadcast %lt3A_61 : i32 to vector<16xi32>
      %lt3A_63 = arith.cmpi slt, %xor3A_60, %lt3A_62 : vector<16xi32>
      %add3A_64 = arith.constant 16 : i32
      %add3A_65 = vector.broadcast %add3A_64 : i32 to vector<16xi32>
      %add3A_66 = arith.addi %xor3A_60, %add3A_65 : vector<16xi32>
      %select_n3A_67 = arith.select %lt3A_63, %add3A_66, %xor3A_60 : vector<16xi1>, vector<16xi32>
      %broadcast_in_dim3A_68 = vector.shape_cast %select_n3A_67 : vector<16xi32> to vector<16x1xi32>
      %gather3A_69 = vector.shape_cast %broadcast_in_dim3A_68 : vector<16x1xi32> to vector<16xi32>
      %gather3A_70 = tpu.dynamic_gather %add3A_57[%gather3A_69] in [0] : vector<16xf32>, vector<16xi32> -> vector<16xf32>
      %add3A_71 = arith.addf %add3A_57, %gather3A_70 : vector<16xf32>
      %xor3A_72 = arith.constant 4 : i32
      %xor3A_73 = vector.broadcast %xor3A_72 : i32 to vector<16xi32>
      %xor3A_74 = arith.xori %iota3A, %xor3A_73 : vector<16xi32>
      %lt3A_75 = arith.constant 0 : i32
      %lt3A_76 = vector.broadcast %lt3A_75 : i32 to vector<16xi32>
      %lt3A_77 = arith.cmpi slt, %xor3A_74, %lt3A_76 : vector<16xi32>
      %add3A_78 = arith.constant 16 : i32
      %add3A_79 = vector.broadcast %add3A_78 : i32 to vector<16xi32>
      %add3A_80 = arith.addi %xor3A_74, %add3A_79 : vector<16xi32>
      %select_n3A_81 = arith.select %lt3A_77, %add3A_80, %xor3A_74 : vector<16xi1>, vector<16xi32>
      %broadcast_in_dim3A_82 = vector.shape_cast %select_n3A_81 : vector<16xi32> to vector<16x1xi32>
      %gather3A_83 = vector.shape_cast %broadcast_in_dim3A_82 : vector<16x1xi32> to vector<16xi32>
      %gather3A_84 = tpu.dynamic_gather %add3A_71[%gather3A_83] in [0] : vector<16xf32>, vector<16xi32> -> vector<16xf32>
      %add3A_85 = arith.addf %add3A_71, %gather3A_84 : vector<16xf32>
      %div3A = arith.divf %exp3A, %add3A_85 : vector<16xf32>
      %swap3A = arith.constant 0 : index
      %swap3A_86 = tpu.vector_load %arg7[%swap3A] {strides = array<i32>} : memref<16xf32, #tpu.memory_space<vmem>>, vector<16xf32>,
      %swap3A_87 = vector.shape_cast %swap3A_86 : vector<16xf32> to vector<16xf32>
      %swap3A_88 = vector.shape_cast %div3A : vector<16xf32> to vector<16xf32>
      tpu.vector_store %arg7[%swap3A], %swap3A_88 {strides = array<i32>} : memref<16xf32, #tpu.memory_space<vmem>>, vector<16xf32>,
      %xor3A_89 = arith.constant 1 : i32
      %xor3A_90 = vector.broadcast %xor3A_89 : i32 to vector<16xi32>
      %xor3A_91 = arith.xori %iota3A, %xor3A_90 : vector<16xi32>
      %lt3A_92 = arith.constant 0 : i32
      %lt3A_93 = vector.broadcast %lt3A_92 : i32 to vector<16xi32>
      %lt3A_94 = arith.cmpi slt, %xor3A_91, %lt3A_93 : vector<16xi32>
      %add3A_95 = arith.constant 16 : i32
      %add3A_96 = vector.broadcast %add3A_95 : i32 to vector<16xi32>
      %add3A_97 = arith.addi %xor3A_91, %add3A_96 : vector<16xi32>
      %select_n3A_98 = arith.select %lt3A_94, %add3A_97, %xor3A_91 : vector<16xi1>, vector<16xi32>
      %broadcast_in_dim3A_99 = vector.shape_cast %select_n3A_98 : vector<16xi32> to vector<16x1xi32>
      %gather3A_100 = vector.shape_cast %broadcast_in_dim3A_99 : vector<16x1xi32> to vector<16xi32>
      %gather3A_101 = tpu.dynamic_gather %div3A[%gather3A_100] in [0] : vector<16xf32>, vector<16xi32> -> vector<16xf32>
      %max3A_102 = arith.maximumf %div3A, %gather3A_101 : vector<16xf32>
      %xor3A_103 = arith.constant 2 : i32
      %xor3A_104 = vector.broadcast %xor3A_103 : i32 to vector<16xi32>
      %xor3A_105 = arith.xori %iota3A, %xor3A_104 : vector<16xi32>
      %lt3A_106 = arith.constant 0 : i32
      %lt3A_107 = vector.broadcast %lt3A_106 : i32 to vector<16xi32>
      %lt3A_108 = arith.cmpi slt, %xor3A_105, %lt3A_107 : vector<16xi32>
      %add3A_109 = arith.constant 16 : i32
      %add3A_110 = vector.broadcast %add3A_109 : i32 to vector<16xi32>
      %add3A_111 = arith.addi %xor3A_105, %add3A_110 : vector<16xi32>
      %select_n3A_112 = arith.select %lt3A_108, %add3A_111, %xor3A_105 : vector<16xi1>, vector<16xi32>
      %broadcast_in_dim3A_113 = vector.shape_cast %select_n3A_112 : vector<16xi32> to vector<16x1xi32>
      %gather3A_114 = vector.shape_cast %broadcast_in_dim3A_113 : vector<16x1xi32> to vector<16xi32>
      %gather3A_115 = tpu.dynamic_gather %max3A_102[%gather3A_114] in [0] : vector<16xf32>, vector<16xi32> -> vector<16xf32>
      %max3A_116 = arith.maximumf %max3A_102, %gather3A_115 : vector<16xf32>
      %xor3A_117 = arith.constant 4 : i32
      %xor3A_118 = vector.broadcast %xor3A_117 : i32 to vector<16xi32>
      %xor3A_119 = arith.xori %iota3A, %xor3A_118 : vector<16xi32>
      %lt3A_120 = arith.constant 0 : i32
      %lt3A_121 = vector.broadcast %lt3A_120 : i32 to vector<16xi32>
      %lt3A_122 = arith.cmpi slt, %xor3A_119, %lt3A_121 : vector<16xi32>
      %add3A_123 = arith.constant 16 : i32
      %add3A_124 = vector.broadcast %add3A_123 : i32 to vector<16xi32>
      %add3A_125 = arith.addi %xor3A_119, %add3A_124 : vector<16xi32>
      %select_n3A_126 = arith.select %lt3A_122, %add3A_125, %xor3A_119 : vector<16xi1>, vector<16xi32>
      %broadcast_in_dim3A_127 = vector.shape_cast %select_n3A_126 : vector<16xi32> to vector<16x1xi32>
      %gather3A_128 = vector.shape_cast %broadcast_in_dim3A_127 : vector<16x1xi32> to vector<16xi32>
      %gather3A_129 = tpu.dynamic_gather %max3A_116[%gather3A_128] in [0] : vector<16xf32>, vector<16xi32> -> vector<16xf32>
      %max3A_130 = arith.maximumf %max3A_116, %gather3A_129 : vector<16xf32>
      %eq3A_131 = arith.cmpf oeq, %div3A, %max3A_130 : vector<16xf32>
      %jit3A = arith.constant 8 : i32
      %broadcast_in_dim3A_132 = vector.broadcast %jit3A : i32 to vector<16xi32>
      %select_n3A_133 = arith.select %eq3A_131, %and3A_8, %broadcast_in_dim3A_132 : vector<16xi1>, vector<16xi32>
      %xor3A_134 = arith.constant 1 : i32
      %xor3A_135 = vector.broadcast %xor3A_134 : i32 to vector<16xi32>
      %xor3A_136 = arith.xori %iota3A, %xor3A_135 : vector<16xi32>
      %lt3A_137 = arith.constant 0 : i32
      %lt3A_138 = vector.broadcast %lt3A_137 : i32 to vector<16xi32>
      %lt3A_139 = arith.cmpi slt, %xor3A_136, %lt3A_138 : vector<16xi32>
      %add3A_140 = arith.constant 16 : i32
      %add3A_141 = vector.broadcast %add3A_140 : i32 to vector<16xi32>
      %add3A_142 = arith.addi %xor3A_136, %add3A_141 : vector<16xi32>
      %select_n3A_143 = arith.select %lt3A_139, %add3A_142, %xor3A_136 : vector<16xi1>, vector<16xi32>
      %broadcast_in_dim3A_144 = vector.shape_cast %select_n3A_143 : vector<16xi32> to vector<16x1xi32>
      %gather3A_145 = vector.shape_cast %broadcast_in_dim3A_144 : vector<16x1xi32> to vector<16xi32>
      %gather3A_146 = tpu.dynamic_gather %select_n3A_133[%gather3A_145] in [0] : vector<16xi32>, vector<16xi32> -> vector<16xi32>
      %min3A = arith.minsi %select_n3A_133, %gather3A_146 : vector<16xi32>
      %xor3A_147 = arith.constant 2 : i32
      %xor3A_148 = vector.broadcast %xor3A_147 : i32 to vector<16xi32>
      %xor3A_149 = arith.xori %iota3A, %xor3A_148 : vector<16xi32>
      %lt3A_150 = arith.constant 0 : i32
      %lt3A_151 = vector.broadcast %lt3A_150 : i32 to vector<16xi32>
      %lt3A_152 = arith.cmpi slt, %xor3A_149, %lt3A_151 : vector<16xi32>
      %add3A_153 = arith.constant 16 : i32
      %add3A_154 = vector.broadcast %add3A_153 : i32 to vector<16xi32>
      %add3A_155 = arith.addi %xor3A_149, %add3A_154 : vector<16xi32>
      %select_n3A_156 = arith.select %lt3A_152, %add3A_155, %xor3A_149 : vector<16xi1>, vector<16xi32>
      %broadcast_in_dim3A_157 = vector.shape_cast %select_n3A_156 : vector<16xi32> to vector<16x1xi32>
      %gather3A_158 = vector.shape_cast %broadcast_in_dim3A_157 : vector<16x1xi32> to vector<16xi32>
      %gather3A_159 = tpu.dynamic_gather %min3A[%gather3A_158] in [0] : vector<16xi32>, vector<16xi32> -> vector<16xi32>
      %min3A_160 = arith.minsi %min3A, %gather3A_159 : vector<16xi32>
      %xor3A_161 = arith.constant 4 : i32
      %xor3A_162 = vector.broadcast %xor3A_161 : i32 to vector<16xi32>
      %xor3A_163 = arith.xori %iota3A, %xor3A_162 : vector<16xi32>
      %lt3A_164 = arith.constant 0 : i32
      %lt3A_165 = vector.broadcast %lt3A_164 : i32 to vector<16xi32>
      %lt3A_166 = arith.cmpi slt, %xor3A_163, %lt3A_165 : vector<16xi32>
      %add3A_167 = arith.constant 16 : i32
      %add3A_168 = vector.broadcast %add3A_167 : i32 to vector<16xi32>
      %add3A_169 = arith.addi %xor3A_163, %add3A_168 : vector<16xi32>
      %select_n3A_170 = arith.select %lt3A_166, %add3A_169, %xor3A_163 : vector<16xi1>, vector<16xi32>
      %broadcast_in_dim3A_171 = vector.shape_cast %select_n3A_170 : vector<16xi32> to vector<16x1xi32>
      %gather3A_172 = vector.shape_cast %broadcast_in_dim3A_171 : vector<16x1xi32> to vector<16xi32>
      %gather3A_173 = tpu.dynamic_gather %min3A_160[%gather3A_172] in [0] : vector<16xi32>, vector<16xi32> -> vector<16xi32>
      %min3A_174 = arith.minsi %min3A_160, %gather3A_173 : vector<16xi32>
      %eq3A_175 = arith.cmpi eq, %and3A_8, %min3A_174 : vector<16xi32>
      %jit3A_176 = arith.constant 0xFF800000 : f32
      %broadcast_in_dim3A_177 = vector.broadcast %jit3A_176 : f32 to vector<16xf32>
      %select_n3A_178 = arith.select %eq3A_175, %broadcast_in_dim3A_177, %div3A : vector<16xi1>, vector<16xf32>
      %xor3A_179 = arith.constant 1 : i32
      %xor3A_180 = vector.broadcast %xor3A_179 : i32 to vector<16xi32>
      %xor3A_181 = arith.xori %iota3A, %xor3A_180 : vector<16xi32>
      %lt3A_182 = arith.constant 0 : i32
      %lt3A_183 = vector.broadcast %lt3A_182 : i32 to vector<16xi32>
      %lt3A_184 = arith.cmpi slt, %xor3A_181, %lt3A_183 : vector<16xi32>
      %add3A_185 = arith.constant 16 : i32
      %add3A_186 = vector.broadcast %add3A_185 : i32 to vector<16xi32>
      %add3A_187 = arith.addi %xor3A_181, %add3A_186 : vector<16xi32>
      %select_n3A_188 = arith.select %lt3A_184, %add3A_187, %xor3A_181 : vector<16xi1>, vector<16xi32>
      %broadcast_in_dim3A_189 = vector.shape_cast %select_n3A_188 : vector<16xi32> to vector<16x1xi32>
      %gather3A_190 = vector.shape_cast %broadcast_in_dim3A_189 : vector<16x1xi32> to vector<16xi32>
      %gather3A_191 = tpu.dynamic_gather %select_n3A_178[%gather3A_190] in [0] : vector<16xf32>, vector<16xi32> -> vector<16xf32>
      %max3A_192 = arith.maximumf %select_n3A_178, %gather3A_191 : vector<16xf32>
      %xor3A_193 = arith.constant 2 : i32
      %xor3A_194 = vector.broadcast %xor3A_193 : i32 to vector<16xi32>
      %xor3A_195 = arith.xori %iota3A, %xor3A_194 : vector<16xi32>
      %lt3A_196 = arith.constant 0 : i32
      %lt3A_197 = vector.broadcast %lt3A_196 : i32 to vector<16xi32>
      %lt3A_198 = arith.cmpi slt, %xor3A_195, %lt3A_197 : vector<16xi32>
      %add3A_199 = arith.constant 16 : i32
      %add3A_200 = vector.broadcast %add3A_199 : i32 to vector<16xi32>
      %add3A_201 = arith.addi %xor3A_195, %add3A_200 : vector<16xi32>
      %select_n3A_202 = arith.select %lt3A_198, %add3A_201, %xor3A_195 : vector<16xi1>, vector<16xi32>
      %broadcast_in_dim3A_203 = vector.shape_cast %select_n3A_202 : vector<16xi32> to vector<16x1xi32>
      %gather3A_204 = vector.shape_cast %broadcast_in_dim3A_203 : vector<16x1xi32> to vector<16xi32>
      %gather3A_205 = tpu.dynamic_gather %max3A_192[%gather3A_204] in [0] : vector<16xf32>, vector<16xi32> -> vector<16xf32>
      %max3A_206 = arith.maximumf %max3A_192, %gather3A_205 : vector<16xf32>
      %xor3A_207 = arith.constant 4 : i32
      %xor3A_208 = vector.broadcast %xor3A_207 : i32 to vector<16xi32>
      %xor3A_209 = arith.xori %iota3A, %xor3A_208 : vector<16xi32>
      %lt3A_210 = arith.constant 0 : i32
      %lt3A_211 = vector.broadcast %lt3A_210 : i32 to vector<16xi32>
      %lt3A_212 = arith.cmpi slt, %xor3A_209, %lt3A_211 : vector<16xi32>
      %add3A_213 = arith.constant 16 : i32
      %add3A_214 = vector.broadcast %add3A_213 : i32 to vector<16xi32>
      %add3A_215 = arith.addi %xor3A_209, %add3A_214 : vector<16xi32>
      %select_n3A_216 = arith.select %lt3A_212, %add3A_215, %xor3A_209 : vector<16xi1>, vector<16xi32>
      %broadcast_in_dim3A_217 = vector.shape_cast %select_n3A_216 : vector<16xi32> to vector<16x1xi32>
      %gather3A_218 = vector.shape_cast %broadcast_in_dim3A_217 : vector<16x1xi32> to vector<16xi32>
      %gather3A_219 = tpu.dynamic_gather %max3A_206[%gather3A_218] in [0] : vector<16xf32>, vector<16xi32> -> vector<16xf32>
      %max3A_220 = arith.maximumf %max3A_206, %gather3A_219 : vector<16xf32>
      %eq3A_221 = arith.cmpf oeq, %select_n3A_178, %max3A_220 : vector<16xf32>
      %jit3A_222 = arith.constant 8 : i32
      %broadcast_in_dim3A_223 = vector.broadcast %jit3A_222 : i32 to vector<16xi32>
      %select_n3A_224 = arith.select %eq3A_221, %and3A_8, %broadcast_in_dim3A_223 : vector<16xi1>, vector<16xi32>
      %xor3A_225 = arith.constant 1 : i32
      %xor3A_226 = vector.broadcast %xor3A_225 : i32 to vector<16xi32>
      %xor3A_227 = arith.xori %iota3A, %xor3A_226 : vector<16xi32>
      %lt3A_228 = arith.constant 0 : i32
      %lt3A_229 = vector.broadcast %lt3A_228 : i32 to vector<16xi32>
      %lt3A_230 = arith.cmpi slt, %xor3A_227, %lt3A_229 : vector<16xi32>
      %add3A_231 = arith.constant 16 : i32
      %add3A_232 = vector.broadcast %add3A_231 : i32 to vector<16xi32>
      %add3A_233 = arith.addi %xor3A_227, %add3A_232 : vector<16xi32>
      %select_n3A_234 = arith.select %lt3A_230, %add3A_233, %xor3A_227 : vector<16xi1>, vector<16xi32>
      %broadcast_in_dim3A_235 = vector.shape_cast %select_n3A_234 : vector<16xi32> to vector<16x1xi32>
      %gather3A_236 = vector.shape_cast %broadcast_in_dim3A_235 : vector<16x1xi32> to vector<16xi32>
      %gather3A_237 = tpu.dynamic_gather %select_n3A_224[%gather3A_236] in [0] : vector<16xi32>, vector<16xi32> -> vector<16xi32>
      %min3A_238 = arith.minsi %select_n3A_224, %gather3A_237 : vector<16xi32>
      %xor3A_239 = arith.constant 2 : i32
      %xor3A_240 = vector.broadcast %xor3A_239 : i32 to vector<16xi32>
      %xor3A_241 = arith.xori %iota3A, %xor3A_240 : vector<16xi32>
      %lt3A_242 = arith.constant 0 : i32
      %lt3A_243 = vector.broadcast %lt3A_242 : i32 to vector<16xi32>
      %lt3A_244 = arith.cmpi slt, %xor3A_241, %lt3A_243 : vector<16xi32>
      %add3A_245 = arith.constant 16 : i32
      %add3A_246 = vector.broadcast %add3A_245 : i32 to vector<16xi32>
      %add3A_247 = arith.addi %xor3A_241, %add3A_246 : vector<16xi32>
      %select_n3A_248 = arith.select %lt3A_244, %add3A_247, %xor3A_241 : vector<16xi1>, vector<16xi32>
      %broadcast_in_dim3A_249 = vector.shape_cast %select_n3A_248 : vector<16xi32> to vector<16x1xi32>
      %gather3A_250 = vector.shape_cast %broadcast_in_dim3A_249 : vector<16x1xi32> to vector<16xi32>
      %gather3A_251 = tpu.dynamic_gather %min3A_238[%gather3A_250] in [0] : vector<16xi32>, vector<16xi32> -> vector<16xi32>
      %min3A_252 = arith.minsi %min3A_238, %gather3A_251 : vector<16xi32>
      %xor3A_253 = arith.constant 4 : i32
      %xor3A_254 = vector.broadcast %xor3A_253 : i32 to vector<16xi32>
      %xor3A_255 = arith.xori %iota3A, %xor3A_254 : vector<16xi32>
      %lt3A_256 = arith.constant 0 : i32
      %lt3A_257 = vector.broadcast %lt3A_256 : i32 to vector<16xi32>
      %lt3A_258 = arith.cmpi slt, %xor3A_255, %lt3A_257 : vector<16xi32>
      %add3A_259 = arith.constant 16 : i32
      %add3A_260 = vector.broadcast %add3A_259 : i32 to vector<16xi32>
      %add3A_261 = arith.addi %xor3A_255, %add3A_260 : vector<16xi32>
      %select_n3A_262 = arith.select %lt3A_258, %add3A_261, %xor3A_255 : vector<16xi1>, vector<16xi32>
      %broadcast_in_dim3A_263 = vector.shape_cast %select_n3A_262 : vector<16xi32> to vector<16x1xi32>
      %gather3A_264 = vector.shape_cast %broadcast_in_dim3A_263 : vector<16x1xi32> to vector<16xi32>
      %gather3A_265 = tpu.dynamic_gather %min3A_252[%gather3A_264] in [0] : vector<16xi32>, vector<16xi32> -> vector<16xi32>
      %min3A_266 = arith.minsi %min3A_252, %gather3A_265 : vector<16xi32>
      %add3A_267 = arith.addf %max3A_130, %max3A_220 : vector<16xf32>
      %add3A_268 = arith.constant 9.99999971E-10 : f32
      %add3A_269 = vector.broadcast %add3A_268 : f32 to vector<16xf32>
      %add3A_270 = arith.addf %add3A_267, %add3A_269 : vector<16xf32>
      %eq3A_271 = arith.cmpi eq, %and3A_8, %min3A_174 : vector<16xi32>
      %div3A_272 = arith.divf %max3A_130, %add3A_270 : vector<16xf32>
      %jit3A_273 = arith.constant 0.000000e+00 : f32
      %broadcast_in_dim3A_274 = vector.broadcast %jit3A_273 : f32 to vector<16xf32>
      %select_n3A_275 = arith.select %eq3A_271, %div3A_272, %broadcast_in_dim3A_274 : vector<16xi1>, vector<16xf32>
      %eq3A_276 = arith.cmpi eq, %and3A_8, %min3A_266 : vector<16xi32>
      %div3A_277 = arith.divf %max3A_220, %add3A_270 : vector<16xf32>
      %jit3A_278 = arith.constant 0.000000e+00 : f32
      %broadcast_in_dim3A_279 = vector.broadcast %jit3A_278 : f32 to vector<16xf32>
      %select_n3A_280 = arith.select %eq3A_276, %div3A_277, %broadcast_in_dim3A_279 : vector<16xi1>, vector<16xf32>
      %add3A_281 = arith.addf %select_n3A_275, %select_n3A_280 : vector<16xf32>
      %swap3A_282 = arith.constant 0 : index
      %swap3A_283 = tpu.vector_load %arg6[%swap3A_282] {strides = array<i32>} : memref<16xf32, #tpu.memory_space<vmem>>, vector<16xf32>,
      %swap3A_284 = vector.shape_cast %swap3A_283 : vector<16xf32> to vector<16xf32>
      %swap3A_285 = vector.shape_cast %add3A_281 : vector<16xf32> to vector<16xf32>
      tpu.vector_store %arg6[%swap3A_282], %swap3A_285 {strides = array<i32>} : memref<16xf32, #tpu.memory_space<vmem>>, vector<16xf32>,
      "tpu.region"() ({
        %run_scoped3A = tpu.sem_alloc : memref<!tpu.dma_semaphore, #tpu.memory_space<semaphore_mem>>
        tpu.enqueue_dma source(%arg7 : memref<16xf32, #tpu.memory_space<vmem>>) target(%arg4 : memref<16xf32, #tpu.memory_space<hbm>>) target_semaphore(%run_scoped3A : memref<!tpu.dma_semaphore, #tpu.memory_space<semaphore_mem>>)
        tpu.wait_dma2 semaphore(%run_scoped3A : memref<!tpu.dma_semaphore, #tpu.memory_space<semaphore_mem>>) src(%arg7 : memref<16xf32, #tpu.memory_space<vmem>>) dst(%arg4 : memref<16xf32, #tpu.memory_space<hbm>>)
        tpu.yield
      }) : () -> ()
      "tpu.region"() ({
        %run_scoped3A = tpu.sem_alloc : memref<!tpu.dma_semaphore, #tpu.memory_space<semaphore_mem>>
        tpu.enqueue_dma source(%arg6 : memref<16xf32, #tpu.memory_space<vmem>>) target(%arg3 : memref<16xf32, #tpu.memory_space<hbm>>) target_semaphore(%run_scoped3A : memref<!tpu.dma_semaphore, #tpu.memory_space<semaphore_mem>>)
        tpu.wait_dma2 semaphore(%run_scoped3A : memref<!tpu.dma_semaphore, #tpu.memory_space<semaphore_mem>>) src(%arg6 : memref<16xf32, #tpu.memory_space<vmem>>) dst(%arg3 : memref<16xf32, #tpu.memory_space<hbm>>)
        tpu.yield
      }) : () -> ()
    } else {
    }
    return
  }
}

module attributes {stable_mosaic.version = 14 : i64} {
  func.func @_gate_kernel(%arg0: i32, %arg1: i32, %arg2: memref<1x512x1024xf32, #tpu.memory_space<vmem>>, %arg3: memref<1024x1024xf32, #tpu.memory_space<vmem>>, %arg4: memref<1x1024xf32, #tpu.memory_space<vmem>>, %arg5: memref<1x512x1024xbf16, #tpu.memory_space<vmem>>, %arg6: memref<1x1x1024xf32, #tpu.memory_space<vmem>>) attributes {dimension_semantics = [#tpu.dimension_semantics<arbitrary>, #tpu.dimension_semantics<arbitrary>], iteration_bounds = array<i64: 2, 4>, scalar_prefetch = 0 : i64, scratch_operands = 0 : i64, tpu.core_type = #tpu.core_type<tc>, window_params = [{transform_indices = @transform_0, window_bounds = array<i64: 1, 512, 1024>}, {pipeline_mode = #tpu.pipeline_mode<synchronous>, transform_indices = @transform_1, window_bounds = array<i64: 1024, 1024>}, {pipeline_mode = #tpu.pipeline_mode<synchronous>, transform_indices = @transform_2, window_bounds = array<i64: 1, 1024>}, {transform_indices = @transform_3, window_bounds = array<i64: 1, 512, 1024>}, {transform_indices = @transform_4, window_bounds = array<i64: 1, 1, 1024>}]} {
    %get3A = arith.constant 0 : index
    %get3A_0 = arith.constant 0 : index
    %get3A_1 = arith.constant 0 : index
    %get3A_2 = vector.load %arg2[%get3A, %get3A_0, %get3A_1] : memref<1x512x1024xf32, #tpu.memory_space<vmem>>, vector<1x512x1024xf32>
    %get3A_3 = vector.shape_cast %get3A_2 : vector<1x512x1024xf32> to vector<512x1024xf32>
    %get3A_4 = arith.constant 0 : index
    %get3A_5 = arith.constant 0 : index
    %get3A_6 = vector.load %arg3[%get3A_4, %get3A_5] : memref<1024x1024xf32, #tpu.memory_space<vmem>>, vector<1024x1024xf32>
    %dot_general3A = arith.constant dense<0.000000e+00> : vector<512x1024xf32>
    %dot_general3A_7 = tpu.matmul %get3A_3, %get3A_6, %dot_general3A {dimension_numbers = #tpu.dot_dimension_numbers<[1], [0], [0], [1], [0, 0, 1, 1], [], []>, transpose_lhs_hint = false} : vector<512x1024xf32>, vector<1024x1024xf32>, vector<512x1024xf32> -> vector<512x1024xf32>
    %get3A_8 = arith.constant 0 : index
    %get3A_9 = arith.constant 0 : index
    %get3A_10 = vector.load %arg4[%get3A_8, %get3A_9] : memref<1x1024xf32, #tpu.memory_space<vmem>>, vector<1x1024xf32>
    %get3A_11 = vector.shape_cast %get3A_10 : vector<1x1024xf32> to vector<1024xf32>
    %broadcast_in_dim3A = vector.shape_cast %get3A_11 : vector<1024xf32> to vector<1x1024xf32>
    %add3A = vector.broadcast %broadcast_in_dim3A : vector<1x1024xf32> to vector<512x1024xf32>
    %add3A_12 = arith.addf %dot_general3A_7, %add3A : vector<512x1024xf32>
    %logistic3A = arith.negf %add3A_12 : vector<512x1024xf32>
    %logistic3A_13 = math.exp %logistic3A : vector<512x1024xf32>
    %logistic3A_14 = arith.constant 1.000000e+00 : f32
    %logistic3A_15 = vector.broadcast %logistic3A_14 : f32 to vector<512x1024xf32>
    %logistic3A_16 = arith.addf %logistic3A_15, %logistic3A_13 : vector<512x1024xf32>
    %logistic3A_17 = arith.divf %logistic3A_15, %logistic3A_16 : vector<512x1024xf32>
    %mul3A = arith.mulf %get3A_3, %logistic3A_17 : vector<512x1024xf32>
    %convert_element_type3A = arith.truncf %mul3A : vector<512x1024xf32> to vector<512x1024xbf16>
    %swap3A = arith.constant 0 : index
    %swap3A_18 = arith.constant 0 : index
    %swap3A_19 = arith.constant 0 : index
    %swap3A_20 = vector.load %arg5[%swap3A, %swap3A_18, %swap3A_19] : memref<1x512x1024xbf16, #tpu.memory_space<vmem>>, vector<1x512x1024xbf16>
    %swap3A_21 = vector.shape_cast %swap3A_20 : vector<1x512x1024xbf16> to vector<512x1024xbf16>
    %swap3A_22 = vector.shape_cast %convert_element_type3A : vector<512x1024xbf16> to vector<1x512x1024xbf16>
    tpu.vector_store %arg5[%swap3A, %swap3A_18, %swap3A_19], %swap3A_22 {strides = array<i32>} : memref<1x512x1024xbf16, #tpu.memory_space<vmem>>, vector<1x512x1024xbf16>,
    %reduce_sum3A = arith.constant dense<0.000000e+00> : vector<1024xf32>
    %reduce_sum3A_23 = vector.multi_reduction <add>, %mul3A, %reduce_sum3A [0] : vector<512x1024xf32> to vector<1024xf32>
    %broadcast_in_dim3A_24 = vector.shape_cast %reduce_sum3A_23 : vector<1024xf32> to vector<1x1024xf32>
    %eq3A = arith.constant 0 : i32
    %eq3A_25 = arith.cmpi eq, %arg1, %eq3A : i32
    %convert_element_type3A_26 = arith.extui %eq3A_25 : i1 to i32
    %cond3A = arith.constant 0 : i32
    %cond3A_27 = arith.cmpi ne, %convert_element_type3A_26, %cond3A : i32
    scf.if %cond3A_27 {
      %swap3A_32 = arith.constant 0 : index
      %swap3A_33 = arith.constant 0 : index
      %swap3A_34 = arith.constant 0 : index
      %swap3A_35 = vector.load %arg6[%swap3A_32, %swap3A_33, %swap3A_34] : memref<1x1x1024xf32, #tpu.memory_space<vmem>>, vector<1x1x1024xf32>
      %swap3A_36 = vector.shape_cast %swap3A_35 : vector<1x1x1024xf32> to vector<1x1024xf32>
      %swap3A_37 = vector.shape_cast %broadcast_in_dim3A_24 : vector<1x1024xf32> to vector<1x1x1024xf32>
      tpu.vector_store %arg6[%swap3A_32, %swap3A_33, %swap3A_34], %swap3A_37 {strides = array<i32>} : memref<1x1x1024xf32, #tpu.memory_space<vmem>>, vector<1x1x1024xf32>,
    } else {
    }
    %ne3A = arith.constant 0 : i32
    %ne3A_28 = arith.cmpi ne, %arg1, %ne3A : i32
    %convert_element_type3A_29 = arith.extui %ne3A_28 : i1 to i32
    %cond3A_30 = arith.constant 0 : i32
    %cond3A_31 = arith.cmpi ne, %convert_element_type3A_29, %cond3A_30 : i32
    scf.if %cond3A_31 {
      %get3A_32 = arith.constant 0 : index
      %get3A_33 = arith.constant 0 : index
      %get3A_34 = arith.constant 0 : index
      %get3A_35 = vector.load %arg6[%get3A_32, %get3A_33, %get3A_34] : memref<1x1x1024xf32, #tpu.memory_space<vmem>>, vector<1x1x1024xf32>
      %get3A_36 = vector.shape_cast %get3A_35 : vector<1x1x1024xf32> to vector<1x1024xf32>
      %add3A_37 = arith.addf %get3A_36, %broadcast_in_dim3A_24 : vector<1x1024xf32>
      %swap3A_38 = arith.constant 0 : index
      %swap3A_39 = arith.constant 0 : index
      %swap3A_40 = arith.constant 0 : index
      %swap3A_41 = vector.load %arg6[%swap3A_38, %swap3A_39, %swap3A_40] : memref<1x1x1024xf32, #tpu.memory_space<vmem>>, vector<1x1x1024xf32>
      %swap3A_42 = vector.shape_cast %swap3A_41 : vector<1x1x1024xf32> to vector<1x1024xf32>
      %swap3A_43 = vector.shape_cast %add3A_37 : vector<1x1024xf32> to vector<1x1x1024xf32>
      tpu.vector_store %arg6[%swap3A_38, %swap3A_39, %swap3A_40], %swap3A_43 {strides = array<i32>} : memref<1x1x1024xf32, #tpu.memory_space<vmem>>, vector<1x1x1024xf32>,
    } else {
    }
    return
  }
  func.func @transform_0(%arg0: i32, %arg1: i32) -> (i32, i32, i32) {
    %c0_i32 = arith.constant 0 : i32
    %c0_i32_0 = arith.constant 0 : i32
    return %arg0, %arg1, %c0_i32 : i32, i32, i32
  }
  func.func @transform_1(%arg0: i32, %arg1: i32) -> (i32, i32) {
    %c0_i32 = arith.constant 0 : i32
    %c0_i32_0 = arith.constant 0 : i32
    %c0_i32_1 = arith.constant 0 : i32
    return %c0_i32, %c0_i32_0 : i32, i32
  }
  func.func @transform_2(%arg0: i32, %arg1: i32) -> (i32, i32) {
    %c0_i32 = arith.constant 0 : i32
    %c0_i32_0 = arith.constant 0 : i32
    %c0_i32_1 = arith.constant 0 : i32
    return %c0_i32, %c0_i32_0 : i32, i32
  }
  func.func @transform_3(%arg0: i32, %arg1: i32) -> (i32, i32, i32) {
    %c0_i32 = arith.constant 0 : i32
    %c0_i32_0 = arith.constant 0 : i32
    return %arg0, %arg1, %c0_i32 : i32, i32, i32
  }
  func.func @transform_4(%arg0: i32, %arg1: i32) -> (i32, i32, i32) {
    %c0_i32 = arith.constant 0 : i32
    %c0_i32_0 = arith.constant 0 : i32
    %c0_i32_1 = arith.constant 0 : i32
    return %arg0, %c0_i32, %c0_i32_0 : i32, i32, i32
  }
}

module attributes {stable_mosaic.version = 14 : i64} {
  func.func @_expand_kernel(%arg0: i32, %arg1: i32, %arg2: memref<2x8xf32, #tpu.memory_space<smem>>, %arg3: memref<1x256x1024xbf16, #tpu.memory_space<vmem>>, %arg4: memref<8x1x256x1024xf32, #tpu.memory_space<vmem>>) attributes {dimension_semantics = [#tpu.dimension_semantics<arbitrary>, #tpu.dimension_semantics<arbitrary>], iteration_bounds = array<i64: 2, 8>, scalar_prefetch = 0 : i64, scratch_operands = 0 : i64, tpu.core_type = #tpu.core_type<tc>, window_params = [{transform_indices = @transform_0, window_bounds = array<i64: 2, 8>}, {transform_indices = @transform_1, window_bounds = array<i64: 1, 256, 1024>}, {transform_indices = @transform_2, window_bounds = array<i64: 8, 1, 256, 1024>}]} {
    %get3A = arith.constant 0 : index
    %get3A_0 = arith.constant 0 : index
    %get3A_1 = arith.constant 0 : index
    %get3A_2 = vector.load %arg3[%get3A, %get3A_0, %get3A_1] : memref<1x256x1024xbf16, #tpu.memory_space<vmem>>, vector<1x256x1024xbf16>
    %get3A_3 = vector.shape_cast %get3A_2 : vector<1x256x1024xbf16> to vector<256x1024xbf16>
    %convert_element_type3A = arith.extf %get3A_3 : vector<256x1024xbf16> to vector<256x1024xf32>
    %get3A_4 = arith.index_cast %arg0 : i32 to index
    %get3A_5 = arith.constant 0 : index
    %get3A_6 = memref.load %arg2[%get3A_4, %get3A_5] : memref<2x8xf32, #tpu.memory_space<smem>>
    %mul3A = vector.broadcast %get3A_6 : f32 to vector<256x1024xf32>
    %mul3A_7 = arith.mulf %convert_element_type3A, %mul3A : vector<256x1024xf32>
    %swap3A = arith.constant 0 : index
    %swap3A_8 = arith.constant 0 : index
    %swap3A_9 = arith.constant 0 : index
    %swap3A_10 = arith.constant 0 : index
    %swap3A_11 = vector.load %arg4[%swap3A, %swap3A_8, %swap3A_9, %swap3A_10] : memref<8x1x256x1024xf32, #tpu.memory_space<vmem>>, vector<1x1x256x1024xf32>
    %swap3A_12 = vector.shape_cast %swap3A_11 : vector<1x1x256x1024xf32> to vector<256x1024xf32>
    %swap3A_13 = vector.shape_cast %mul3A_7 : vector<256x1024xf32> to vector<1x1x256x1024xf32>
    tpu.vector_store %arg4[%swap3A, %swap3A_8, %swap3A_9, %swap3A_10], %swap3A_13 {strides = array<i32>} : memref<8x1x256x1024xf32, #tpu.memory_space<vmem>>, vector<1x1x256x1024xf32>,
    %get3A_14 = arith.index_cast %arg0 : i32 to index
    %get3A_15 = arith.constant 1 : index
    %get3A_16 = memref.load %arg2[%get3A_14, %get3A_15] : memref<2x8xf32, #tpu.memory_space<smem>>
    %mul3A_17 = vector.broadcast %get3A_16 : f32 to vector<256x1024xf32>
    %mul3A_18 = arith.mulf %convert_element_type3A, %mul3A_17 : vector<256x1024xf32>
    %swap3A_19 = arith.constant 1 : index
    %swap3A_20 = arith.constant 0 : index
    %swap3A_21 = arith.constant 0 : index
    %swap3A_22 = arith.constant 0 : index
    %swap3A_23 = vector.load %arg4[%swap3A_19, %swap3A_20, %swap3A_21, %swap3A_22] : memref<8x1x256x1024xf32, #tpu.memory_space<vmem>>, vector<1x1x256x1024xf32>
    %swap3A_24 = vector.shape_cast %swap3A_23 : vector<1x1x256x1024xf32> to vector<256x1024xf32>
    %swap3A_25 = vector.shape_cast %mul3A_18 : vector<256x1024xf32> to vector<1x1x256x1024xf32>
    tpu.vector_store %arg4[%swap3A_19, %swap3A_20, %swap3A_21, %swap3A_22], %swap3A_25 {strides = array<i32>} : memref<8x1x256x1024xf32, #tpu.memory_space<vmem>>, vector<1x1x256x1024xf32>,
    %get3A_26 = arith.index_cast %arg0 : i32 to index
    %get3A_27 = arith.constant 2 : index
    %get3A_28 = memref.load %arg2[%get3A_26, %get3A_27] : memref<2x8xf32, #tpu.memory_space<smem>>
    %mul3A_29 = vector.broadcast %get3A_28 : f32 to vector<256x1024xf32>
    %mul3A_30 = arith.mulf %convert_element_type3A, %mul3A_29 : vector<256x1024xf32>
    %swap3A_31 = arith.constant 2 : index
    %swap3A_32 = arith.constant 0 : index
    %swap3A_33 = arith.constant 0 : index
    %swap3A_34 = arith.constant 0 : index
    %swap3A_35 = vector.load %arg4[%swap3A_31, %swap3A_32, %swap3A_33, %swap3A_34] : memref<8x1x256x1024xf32, #tpu.memory_space<vmem>>, vector<1x1x256x1024xf32>
    %swap3A_36 = vector.shape_cast %swap3A_35 : vector<1x1x256x1024xf32> to vector<256x1024xf32>
    %swap3A_37 = vector.shape_cast %mul3A_30 : vector<256x1024xf32> to vector<1x1x256x1024xf32>
    tpu.vector_store %arg4[%swap3A_31, %swap3A_32, %swap3A_33, %swap3A_34], %swap3A_37 {strides = array<i32>} : memref<8x1x256x1024xf32, #tpu.memory_space<vmem>>, vector<1x1x256x1024xf32>,
    %get3A_38 = arith.index_cast %arg0 : i32 to index
    %get3A_39 = arith.constant 3 : index
    %get3A_40 = memref.load %arg2[%get3A_38, %get3A_39] : memref<2x8xf32, #tpu.memory_space<smem>>
    %mul3A_41 = vector.broadcast %get3A_40 : f32 to vector<256x1024xf32>
    %mul3A_42 = arith.mulf %convert_element_type3A, %mul3A_41 : vector<256x1024xf32>
    %swap3A_43 = arith.constant 3 : index
    %swap3A_44 = arith.constant 0 : index
    %swap3A_45 = arith.constant 0 : index
    %swap3A_46 = arith.constant 0 : index
    %swap3A_47 = vector.load %arg4[%swap3A_43, %swap3A_44, %swap3A_45, %swap3A_46] : memref<8x1x256x1024xf32, #tpu.memory_space<vmem>>, vector<1x1x256x1024xf32>
    %swap3A_48 = vector.shape_cast %swap3A_47 : vector<1x1x256x1024xf32> to vector<256x1024xf32>
    %swap3A_49 = vector.shape_cast %mul3A_42 : vector<256x1024xf32> to vector<1x1x256x1024xf32>
    tpu.vector_store %arg4[%swap3A_43, %swap3A_44, %swap3A_45, %swap3A_46], %swap3A_49 {strides = array<i32>} : memref<8x1x256x1024xf32, #tpu.memory_space<vmem>>, vector<1x1x256x1024xf32>,
    %get3A_50 = arith.index_cast %arg0 : i32 to index
    %get3A_51 = arith.constant 4 : index
    %get3A_52 = memref.load %arg2[%get3A_50, %get3A_51] : memref<2x8xf32, #tpu.memory_space<smem>>
    %mul3A_53 = vector.broadcast %get3A_52 : f32 to vector<256x1024xf32>
    %mul3A_54 = arith.mulf %convert_element_type3A, %mul3A_53 : vector<256x1024xf32>
    %swap3A_55 = arith.constant 4 : index
    %swap3A_56 = arith.constant 0 : index
    %swap3A_57 = arith.constant 0 : index
    %swap3A_58 = arith.constant 0 : index
    %swap3A_59 = vector.load %arg4[%swap3A_55, %swap3A_56, %swap3A_57, %swap3A_58] : memref<8x1x256x1024xf32, #tpu.memory_space<vmem>>, vector<1x1x256x1024xf32>
    %swap3A_60 = vector.shape_cast %swap3A_59 : vector<1x1x256x1024xf32> to vector<256x1024xf32>
    %swap3A_61 = vector.shape_cast %mul3A_54 : vector<256x1024xf32> to vector<1x1x256x1024xf32>
    tpu.vector_store %arg4[%swap3A_55, %swap3A_56, %swap3A_57, %swap3A_58], %swap3A_61 {strides = array<i32>} : memref<8x1x256x1024xf32, #tpu.memory_space<vmem>>, vector<1x1x256x1024xf32>,
    %get3A_62 = arith.index_cast %arg0 : i32 to index
    %get3A_63 = arith.constant 5 : index
    %get3A_64 = memref.load %arg2[%get3A_62, %get3A_63] : memref<2x8xf32, #tpu.memory_space<smem>>
    %mul3A_65 = vector.broadcast %get3A_64 : f32 to vector<256x1024xf32>
    %mul3A_66 = arith.mulf %convert_element_type3A, %mul3A_65 : vector<256x1024xf32>
    %swap3A_67 = arith.constant 5 : index
    %swap3A_68 = arith.constant 0 : index
    %swap3A_69 = arith.constant 0 : index
    %swap3A_70 = arith.constant 0 : index
    %swap3A_71 = vector.load %arg4[%swap3A_67, %swap3A_68, %swap3A_69, %swap3A_70] : memref<8x1x256x1024xf32, #tpu.memory_space<vmem>>, vector<1x1x256x1024xf32>
    %swap3A_72 = vector.shape_cast %swap3A_71 : vector<1x1x256x1024xf32> to vector<256x1024xf32>
    %swap3A_73 = vector.shape_cast %mul3A_66 : vector<256x1024xf32> to vector<1x1x256x1024xf32>
    tpu.vector_store %arg4[%swap3A_67, %swap3A_68, %swap3A_69, %swap3A_70], %swap3A_73 {strides = array<i32>} : memref<8x1x256x1024xf32, #tpu.memory_space<vmem>>, vector<1x1x256x1024xf32>,
    %get3A_74 = arith.index_cast %arg0 : i32 to index
    %get3A_75 = arith.constant 6 : index
    %get3A_76 = memref.load %arg2[%get3A_74, %get3A_75] : memref<2x8xf32, #tpu.memory_space<smem>>
    %mul3A_77 = vector.broadcast %get3A_76 : f32 to vector<256x1024xf32>
    %mul3A_78 = arith.mulf %convert_element_type3A, %mul3A_77 : vector<256x1024xf32>
    %swap3A_79 = arith.constant 6 : index
    %swap3A_80 = arith.constant 0 : index
    %swap3A_81 = arith.constant 0 : index
    %swap3A_82 = arith.constant 0 : index
    %swap3A_83 = vector.load %arg4[%swap3A_79, %swap3A_80, %swap3A_81, %swap3A_82] : memref<8x1x256x1024xf32, #tpu.memory_space<vmem>>, vector<1x1x256x1024xf32>
    %swap3A_84 = vector.shape_cast %swap3A_83 : vector<1x1x256x1024xf32> to vector<256x1024xf32>
    %swap3A_85 = vector.shape_cast %mul3A_78 : vector<256x1024xf32> to vector<1x1x256x1024xf32>
    tpu.vector_store %arg4[%swap3A_79, %swap3A_80, %swap3A_81, %swap3A_82], %swap3A_85 {strides = array<i32>} : memref<8x1x256x1024xf32, #tpu.memory_space<vmem>>, vector<1x1x256x1024xf32>,
    %get3A_86 = arith.index_cast %arg0 : i32 to index
    %get3A_87 = arith.constant 7 : index
    %get3A_88 = memref.load %arg2[%get3A_86, %get3A_87] : memref<2x8xf32, #tpu.memory_space<smem>>
    %mul3A_89 = vector.broadcast %get3A_88 : f32 to vector<256x1024xf32>
    %mul3A_90 = arith.mulf %convert_element_type3A, %mul3A_89 : vector<256x1024xf32>
    %swap3A_91 = arith.constant 7 : index
    %swap3A_92 = arith.constant 0 : index
    %swap3A_93 = arith.constant 0 : index
    %swap3A_94 = arith.constant 0 : index
    %swap3A_95 = vector.load %arg4[%swap3A_91, %swap3A_92, %swap3A_93, %swap3A_94] : memref<8x1x256x1024xf32, #tpu.memory_space<vmem>>, vector<1x1x256x1024xf32>
    %swap3A_96 = vector.shape_cast %swap3A_95 : vector<1x1x256x1024xf32> to vector<256x1024xf32>
    %swap3A_97 = vector.shape_cast %mul3A_90 : vector<256x1024xf32> to vector<1x1x256x1024xf32>
    tpu.vector_store %arg4[%swap3A_91, %swap3A_92, %swap3A_93, %swap3A_94], %swap3A_97 {strides = array<i32>} : memref<8x1x256x1024xf32, #tpu.memory_space<vmem>>, vector<1x1x256x1024xf32>,
    return
  }
  func.func @transform_0(%arg0: i32, %arg1: i32) -> (i32, i32) {
    %c0_i32 = arith.constant 0 : i32
    %c0_i32_0 = arith.constant 0 : i32
    %c0_i32_1 = arith.constant 0 : i32
    return %c0_i32, %c0_i32_0 : i32, i32
  }
  func.func @transform_1(%arg0: i32, %arg1: i32) -> (i32, i32, i32) {
    %c0_i32 = arith.constant 0 : i32
    %c0_i32_0 = arith.constant 0 : i32
    return %arg0, %arg1, %c0_i32 : i32, i32, i32
  }
  func.func @transform_2(%arg0: i32, %arg1: i32) -> (i32, i32, i32, i32) {
    %c0_i32 = arith.constant 0 : i32
    %c0_i32_0 = arith.constant 0 : i32
    %c0_i32_1 = arith.constant 0 : i32
    return %c0_i32, %arg0, %arg1, %c0_i32_0 : i32, i32, i32, i32
  }
}

module attributes {stable_mosaic.version = 14 : i64} {
  func.func @_mlp_kernel(%arg0: memref<2x1x1024xf32, #tpu.memory_space<vmem>>, %arg1: memref<1024x256xf32, #tpu.memory_space<vmem>>, %arg2: memref<1x256xf32, #tpu.memory_space<vmem>>, %arg3: memref<256x8xf32, #tpu.memory_space<vmem>>, %arg4: memref<1x8xf32, #tpu.memory_space<vmem>>, %arg5: memref<2x8xf32, #tpu.memory_space<vmem>>) attributes {dimension_semantics = [], scalar_prefetch = 0 : i64, scratch_operands = 0 : i64, tpu.core_type = #tpu.core_type<tc>} {
    %get3A = arith.constant 0 : index
    %get3A_0 = arith.constant 0 : index
    %get3A_1 = arith.constant 0 : index
    %get3A_2 = vector.load %arg0[%get3A, %get3A_0, %get3A_1] : memref<2x1x1024xf32, #tpu.memory_space<vmem>>, vector<2x1x1024xf32>
    %get3A_3 = vector.shape_cast %get3A_2 : vector<2x1x1024xf32> to vector<2x1024xf32>
    %mul3A = arith.constant 4.8828125E-4 : f32
    %mul3A_4 = vector.broadcast %mul3A : f32 to vector<2x1024xf32>
    %mul3A_5 = arith.mulf %get3A_3, %mul3A_4 : vector<2x1024xf32>
    %get3A_6 = arith.constant 0 : index
    %get3A_7 = arith.constant 0 : index
    %get3A_8 = vector.load %arg1[%get3A_6, %get3A_7] : memref<1024x256xf32, #tpu.memory_space<vmem>>, vector<1024x256xf32>
    %dot_general3A = arith.constant dense<0.000000e+00> : vector<2x256xf32>
    %dot_general3A_9 = tpu.matmul %mul3A_5, %get3A_8, %dot_general3A {dimension_numbers = #tpu.dot_dimension_numbers<[1], [0], [0], [1], [0, 0, 1, 1], [], []>, transpose_lhs_hint = false} : vector<2x1024xf32>, vector<1024x256xf32>, vector<2x256xf32> -> vector<2x256xf32>
    %get3A_10 = arith.constant 0 : index
    %get3A_11 = arith.constant 0 : index
    %get3A_12 = vector.load %arg2[%get3A_10, %get3A_11] : memref<1x256xf32, #tpu.memory_space<vmem>>, vector<1x256xf32>
    %get3A_13 = vector.shape_cast %get3A_12 : vector<1x256xf32> to vector<256xf32>
    %broadcast_in_dim3A = vector.shape_cast %get3A_13 : vector<256xf32> to vector<1x256xf32>
    %add3A = vector.broadcast %broadcast_in_dim3A : vector<1x256xf32> to vector<2x256xf32>
    %add3A_14 = arith.addf %dot_general3A_9, %add3A : vector<2x256xf32>
    %tanh3A = math.tanh %add3A_14 : vector<2x256xf32>
    %get3A_15 = arith.constant 0 : index
    %get3A_16 = arith.constant 0 : index
    %get3A_17 = vector.load %arg3[%get3A_15, %get3A_16] : memref<256x8xf32, #tpu.memory_space<vmem>>, vector<256x8xf32>
    %dot_general3A_18 = arith.constant dense<0.000000e+00> : vector<2x8xf32>
    %dot_general3A_19 = tpu.matmul %tanh3A, %get3A_17, %dot_general3A_18 {dimension_numbers = #tpu.dot_dimension_numbers<[1], [0], [0], [1], [0, 0, 1, 1], [], []>, transpose_lhs_hint = false} : vector<2x256xf32>, vector<256x8xf32>, vector<2x8xf32> -> vector<2x8xf32>
    %get3A_20 = arith.constant 0 : index
    %get3A_21 = arith.constant 0 : index
    %get3A_22 = vector.load %arg4[%get3A_20, %get3A_21] : memref<1x8xf32, #tpu.memory_space<vmem>>, vector<1x8xf32>
    %get3A_23 = vector.shape_cast %get3A_22 : vector<1x8xf32> to vector<8xf32>
    %broadcast_in_dim3A_24 = vector.shape_cast %get3A_23 : vector<8xf32> to vector<1x8xf32>
    %add3A_25 = vector.broadcast %broadcast_in_dim3A_24 : vector<1x8xf32> to vector<2x8xf32>
    %add3A_26 = arith.addf %dot_general3A_19, %add3A_25 : vector<2x8xf32>
    %swap3A = arith.constant 0 : index
    %swap3A_27 = arith.constant 0 : index
    %swap3A_28 = vector.load %arg5[%swap3A, %swap3A_27] : memref<2x8xf32, #tpu.memory_space<vmem>>, vector<2x8xf32>
    tpu.vector_store %arg5[%swap3A, %swap3A_27], %add3A_26 {strides = array<i32>} : memref<2x8xf32, #tpu.memory_space<vmem>>, vector<2x8xf32>,
    return
  }
}

</mosaic_0001>

<sc_bundles>
// kernel: kernel.6.cloned.1.call-start
scs
__scs_entry_jumppad:
0x0: {  	(pc) =	sbr.rel $0x88, $3  }
0x1: {  	(tag) =	ssettag $0x0;
	lr =	simm.s32 $0x1  }
0x2: {  	[smem:$0x3F9A] =	sst lr;
	_ =	strace $0xD0000000  }
0x3: {  	_ = 	snop  }
0x4: {  	_ = 	snop  }
0x5: {  	_ = 	snop  }
0x6: {  	_ = 	snop  }
0x7: {  	_ = 	snop  }
__scs_overlays_trampoline_lowered:
0x8: {  	[smem:$0x3FA9] =	sst s0  }
0x9: {  	[smem:$0x3FAA] =	sst s1  }
0xa: {  	[smem:$0x3FAB] =	sst s2  }
0xb: {  	[smem:$0x3FAC] =	sst s3  }
0xc: {  	[smem:$0x3FAD] =	sst s4  }
0xd: {  	[smem:$0x3FAE] =	sst s5  }
0xe: {  	[smem:$0x3FAF] =	sst s6  }
0xf: {  	[smem:$0x3FB0] =	sst s7  }
0x10: {  	[smem:$0x3FB1] =	sst s8  }
0x11: {  	[smem:$0x3FB2] =	sst s9;
	s0 =	simm.s32 @!p0 $0x0  }
0x12: {  	s1 =	sld [smem:$0x3F98];
	s0 =	simm.s32 @p0 $0x1  }
0x13: {  	[smem:$0x3FB3] =	sst s0;
	s0 =	simm.s32 @!p1 $0x0  }
0x14: {  	s2 =	sld [smem:$0x3F97];
	s0 =	simm.s32 @p1 $0x1  }
0x15: {  	[smem:$0x3FB4] =	sst s0;
	s0 =	simm.s32 @!p2 $0x0  }
0x16: {  	s3 =	sld [smem:$0x3FDB];
	s0 =	simm.s32 @p2 $0x1  }
0x17: {  	s4 =	simm.s32 $0x1BF5;
	[smem:$0x3FB6] =	sst s0  }
0x18: {  	s0 =	sld [smem:$0x3F99];
	_ =	swait.ge [sflag:s4], $0x0  }
0x19: {  	s7 =	sld [smem:$0x3F9A]  }
0x1a: {  	s8 =	sadd.s32 $0xFFFFE003, lr  }
0x1b: {  	s9 =	sadd.s32 $0xFFFFFEF7, lr;
	s5 =	simm.s32 $0xFFFFFFFF;
	p2 =	slt.u32 s8, $0xFFFFF086  }
0x1c: {  	p1 =	slt.u32 s9, $0xF7A;
	s5 =	simm.s32 @!p2 $0x0  }
0x1d: {  	s5 =	simm.s32 @p1 $0x1;
	p0 =	seq.s32 s7, s2  }
0x1e: {  	s7 =	smul.u32 @!p0 $0xF7A, s2;
	p2 =	seq.s32 @!p0 s5, $0x0  }
0x1f: {  	s9 =	smul.u32 $0xF7A, s1;
	s8 =	simm.s32 @!p0 $0x1BF5;
	p2 =	por !p2, p0  }
0x20: {  	[sflag:s8] =	ssyncset.s32 @!p0 $0xFFFFF086;
	s6 =	sadd.s32 @!p0 s3, s7;
	s7 =	simm.s32 @!p0 $0x108  }
0x21: {  	s3 =	sadd.s32 s3, s9;
	s6 =	sadd.s32 @!p0 $0x88, s6;
	s7 =	simm.s32 @p2 $0x1082  }
0x22: {  	[simem:s7], [sflag:s8] =	dma.local @!p0 [hbm:s6], $0xF7A  }
0x23: {  	s9 =	sor.u32 $0xD0000000, s2;
	s6 =	simm.s32 $0x108;
	_ =	swait.ge @!p0 [sflag:s8], $0x0  }
0x24: {  	s3 =	sadd.s32 $0x88, s3;
	s6 =	simm.s32 @!p1 $0x1082;
	[sflag:s4] =	ssyncset.s32 $0xFFFFF086  }
0x25: {  	[simem:s6], [sflag:s4] =	dma.local [hbm:s3], $0xF7A  }
0x26: {  	[smem:$0x3F9A] =	sst s1;
	(tag) =	ssettag s2;
	_ =	strace s9  }
0x27: {  	s1 =	sld [smem:$0x3FAA]  }
0x28: {  	s2 =	sld [smem:$0x3FAB]  }
0x29: {  	s4 =	sld [smem:$0x3FAD]  }
0x2a: {  	p0 =	seq.s32 s5, $0x0;
	s5 =	sld [smem:$0x3FAE]  }
0x2b: {  	s6 =	sld [smem:$0x3FAF]  }
0x2c: {  	s7 =	sld [smem:$0x3FB0]  }
0x2d: {  	s3 =	simm.s32 $0x108;
	s8 =	sld [smem:$0x3FB1]  }
0x2e: {  	s3 =	simm.s32 @!p0 $0x1082;
	s9 =	sld [smem:$0x3FB2]  }
0x2f: {  	lr =	sadd.s32 s0, s3;
	s0 =	sld [smem:$0x3FA9]  }
0x30: {  	s3 =	sld [smem:$0x3FAC]  }
0x31: {  	[smem:$0x3FB5] =	sst s10  }
0x32: {  	s10 =	sld [smem:$0x3FB3];
	_ =	sdelay $0x3  }
0x33: {  	p0 =	seq.s32 s10, $0x1;
	s10 =	sld [smem:$0x3FB5];
	_ =	sdelay $0x3  }
0x34: {  	[smem:$0x3FB5] =	sst s10  }
0x35: {  	s10 =	sld [smem:$0x3FB4];
	_ =	sdelay $0x3  }
0x36: {  	p1 =	seq.s32 s10, $0x1;
	s10 =	sld [smem:$0x3FB5];
	_ =	sdelay $0x3  }
0x37: {  	[smem:$0x3FB5] =	sst s10  }
0x38: {  	s10 =	sld [smem:$0x3FB6]  }
0x39: {  	_ = 	snop;
	(pc) =	sbr.ind lr, $3  }
0x3a: {  	_ = 	snop  }
0x3b: {  	_ = 	snop  }
0x3c: {  	p2 =	seq.s32 s10, $0x1;
	s10 =	sld [smem:$0x3FB5]  }
0x3d: {  	_ =	shalt  }
0x3e: {  	_ =	shalt  }
0x3f: {  	_ =	shalt  }
0x40: {  	_ =	shalt  }
0x41: {  	_ =	shalt  }
0x42: {  	_ =	shalt  }
0x43: {  	_ =	shalt  }
0x44: {  	_ =	shalt  }
0x45: {  	_ =	shalt  }
0x46: {  	_ =	shalt  }
0x47: {  	_ =	shalt  }
0x48: {  	_ =	shalt  }
0x49: {  	_ =	shalt  }
0x4a: {  	_ =	shalt  }
0x4b: {  	_ =	shalt  }
0x4c: {  	_ =	shalt  }
0x4d: {  	_ =	shalt  }
0x4e: {  	_ =	shalt  }
0x4f: {  	_ =	shalt  }
0x50: {  	_ =	shalt  }
0x51: {  	_ =	shalt  }
0x52: {  	_ =	shalt  }
0x53: {  	_ =	shalt  }
0x54: {  	_ =	shalt  }
0x55: {  	_ =	shalt  }
0x56: {  	_ =	shalt  }
0x57: {  	_ =	shalt  }
0x58: {  	_ =	shalt  }
0x59: {  	_ =	shalt  }
0x5a: {  	_ =	shalt  }
0x5b: {  	_ =	shalt  }
0x5c: {  	_ =	shalt  }
0x5d: {  	_ =	shalt  }
0x5e: {  	_ =	shalt  }
0x5f: {  	_ =	shalt  }
0x60: {  	_ =	shalt  }
0x61: {  	_ =	shalt  }
0x62: {  	_ =	shalt  }
0x63: {  	_ =	shalt  }
0x64: {  	_ =	shalt  }
0x65: {  	_ =	shalt  }
0x66: {  	_ =	shalt  }
0x67: {  	_ =	shalt  }
0x68: {  	_ =	shalt  }
0x69: {  	_ =	shalt  }
0x6a: {  	_ =	shalt  }
0x6b: {  	_ =	shalt  }
0x6c: {  	_ =	shalt  }
0x6d: {  	_ =	shalt  }
0x6e: {  	_ =	shalt  }
0x6f: {  	_ =	shalt  }
0x70: {  	_ =	shalt  }
0x71: {  	_ =	shalt  }
0x72: {  	_ =	shalt  }
0x73: {  	_ =	shalt  }
0x74: {  	_ =	shalt  }
0x75: {  	_ =	shalt  }
0x76: {  	_ =	shalt  }
0x77: {  	_ =	shalt  }
0x78: {  	_ =	shalt  }
0x79: {  	_ =	shalt  }
0x7a: {  	_ =	shalt  }
0x7b: {  	_ =	shalt  }
0x7c: {  	_ =	shalt  }
0x7d: {  	_ =	shalt  }
0x7e: {  	_ =	shalt  }
0x7f: {  	_ =	shalt  }
0x80: {  	_ =	shalt  }
0x81: {  	_ =	shalt  }
0x82: {  	_ =	shalt  }
0x83: {  	_ =	shalt  }
0x84: {  	_ =	shalt  }
0x85: {  	_ =	shalt  }
0x86: {  	_ =	shalt  }
0x87: {  	_ =	shalt  }
.Lfunc_end0:
.L_simem_size_0:
called_computation_lowered:
.L_overlay_start_0:
0x88: {  	s2 =	sld [smem:$0x3FD9]  }
0x89: {  	s3 =	sld [smem:$0x3FFE];
	_ =	sdelay $0x1  }
0x8a: {  	s1 =	srdreg.scid  }
0x8b: {  	s0 =	sand.u32 $0x1, s1  }
0x8c: {  	s14 =	sshll.u32 s0, $0xA;
	s2 =	sadd.s32 s3, s2  }
0x8d: {  	s2 =	sadd.s32 s2, s14  }
0x8e: {  	[smem:$0x3FC1] =	sst s2  }
0x8f: {  	_ = 	snop  }
0x90: {  	s2 =	sld [smem:$0x3FD0];
	_ =	sdelay $0x2  }
0x91: {  	s15 =	simm.s32 $0xA;
	s4 =	simm.s32 $0x10  }
0x92: {  	[smem:s4], [sflag:s15] =	dma.local [hbm:s2], $0x1  }
0x93: {  	_ =	swait.eq [sflag:s15], $0x1  }
0x94: {  	[sflag:s15] =	ssyncset.done $0x0  }
0x95: {  	s16 =	sld [smem:$0x10];
	[sflag:s15] =	ssyncadd.s32 $0xFFFFFFFF  }
0x96: {  	s17 =	sld [smem:$0x11];
	(tm) =	ssettm $0x1  }
0x97: {  	s18 =	sld [smem:$0x3FFB];
	_ =	sdelay $0x3  }
0x98: {  	_ =	strace s18  }
0x99: {  	s4 =	sld [smem:$0x3FFC];
	_ =	sdelay $0x3  }
0x9a: {  	_ =	strace s4  }
0x9b: {  	s4 =	sld [smem:$0x3FFD];
	_ =	sdelay $0x3  }
0x9c: {  	_ =	strace s4  }
0x9d: {  	_ =	strace $0x8FFFFFFF  }
0x9e: {  	s19 =	sld [smem:$0x3FDB];
	_ =	sdelay $0x1  }
0x9f: {  	s5 =	simm.s32 $_scs_section_size  }
0xa0: {  	s6 =	simm.s32 $_size__tile_overlayer_lowered;
	s7 =	simm.s32 $_tile_overlayer_lowered  }
0xa1: {  	s22 =	simm.s32 $0x1BFF;
	s21 =	sshll.u32 s7, $0x1;
	s4 =	sadd.s32 s5, s19  }
0xa2: {  	s8 =	simm.s32 $0x0;
	s20 =	sshll.u32 s6, $0x1;
	s6 =	sadd.s32 s21, s4  }
0xa3: {  	[timem:s8], [sflag:s22] =	dma.local [hbm:s6], s20  }
0xa4: {  	_ =	swait.ge [sflag:s22], s20  }
0xa5: {  	s5 =	ssub.s32 $0x0, s20;
	[sflag:s22] =	ssyncset.done $0x0  }
0xa6: {  	[sflag:s22] =	ssyncadd.s32 s5;
	_ =	sdelay $0x1  }
0xa7: {  	s23 =	simm.s32 $0x1B8B  }
0xa8: {  	_ =	swait.ge [sflag:s23], $0x1  }
0xa9: {  	[sflag:s23] =	ssyncset.done $0x0  }
0xaa: {  	s25 =	simm.s32 $0x1B8E;
	s24 =	sld [smem:$0x3FFE];
	[sflag:s23] =	ssyncadd.s32 $0xFFFFFFFF  }
0xab: {  	s26 =	simm.s32 $execute0_lowered;
	[smem:$0x3FD2] =	sst s25  }
0xac: {  	s6 =	sshll.u32 s26, $0x1;
	_ =	strace $0x80000046;
	[dreg:$0x1] =	wrdreg $0xFFFFFFFF  }
0xad: {  	s28 =	simm.s32 $_size_execute0_lowered;
	s4 =	sadd.s32 s4, s6;
	[dreg:$0x0] =	wrdreg $0x0  }
0xae: {  	s6 =	sshll.u32 s28, $0x1;
	[dreg:$0x2] =	wrdreg s4  }
0xaf: {  	[dreg:$0x3] =	wrdreg s6  }
0xb0: {  	[dreg:$0x4] =	wrdreg $0xC0  }
0xb1: {  	_ =	task [dreg:s8], $0x5FFFF  }
0xb2: {  	[dreg:$0x1] =	wrdreg $0xFFFFFFFF  }
0xb3: {  	[dreg:$0x0] =	wrdreg $0x60  }
0xb4: {  	[dreg:$0x2] =	wrdreg s17  }
0xb5: {  	[dreg:$0x3] =	wrdreg s16  }
0xb6: {  	[dreg:$0x4] =	wrdreg s24  }
0xb7: {  	[dreg:$0x5] =	wrdreg $0x9  }
0xb8: {  	_ =	task.clear_ibuf [dreg:s8], $0x6FFFF;
	_ =	strace $0x90000046  }
0xb9: {  	s29 =	simm.s32 $0x9;
	_ =	strace $0x80000048  }
0xba: {  	_ =	swait.ge [sflag:s29], $0x1  }
0xbb: {  	[sflag:s29] =	ssyncadd.s32 $0xFFFFFFFF  }
0xbc: {  	_ =	strace $0x90000048  }
0xbd: {  	_ =	sfence  }
0xbe: {  	s30 =	sld [smem:$0x0];
	_ =	sdelay $0x2  }
0xbf: {  	s31 =	sshll.u32 s1, $0xD;
	s1 =	sshrl.u32 s1, $0x2  }
0xc0: {  	s3 =	sand.u32 $0x4000, s31;
	s1 =	sadd.s32 s1, s30  }
0xc1: {  	s0 =	sor.u32 s3, s0;
	s1 =	sshll.u32 s1, $0x11  }
0xc2: {  	s0 =	sor.u32 s1, s0  }
0xc3: {  	s0 =	sadd.s32 $0x8F2B, s0  }
0xc4: {  	[sflag:s0] =	ssyncadd.remote.s32 $0x1  }
0xc5: {  	_ =	sfence.sel $0xFFFF  }
0xc6: {  	[dreg:$0x0] =	wrdreg $0xFFFFFFFF;
	(pc) =	sbr.abs _section_cstart, $3  }
0xc7: {  	[dreg:$0x1] =	wrdreg $0xFFFFFFFF  }
0xc8: {  	_ =	task.clear_ibuf [dreg:s8], $0x2FFFF;
	_ =	strace $0x9FFFFFFF  }
0xc9: {  	(tm) =	ssettm $0x7FFFFFFF  }
tec
execute0_lowered:
.L_overlay_start_1:
0x0: {  	(tag) =	ssettag $0x1  }
0x1: {  	s0 =	srdreg.scid  }
0x2: {  	s8 =	sand.u32 $0x1, s0;
	s0 =	stileid.u32  }
0x3: {  	s4 =	sor.u32 s0, s8  }
0x4: {  	p0 =	sne.s32 s4, $0x0  }
.Ltmp0:
0x5: {  	_ = 	snop;
	(pc) =	sbr.rel @p0 .LBB2_4-.Ltmp0, $4  }
0x6: {  	s2 =	rddreg [dreg:$0x0]  }
0x7: {  	s3 =	rddreg [dreg:$0x1]  }
0x8: {  	s6 =	rddreg [dreg:$0x2]  }
0x9: {  	s1 =	rddreg [dreg:$0x3];
	_ =	strace $0x80000047  }
0xa: {  	s5 =	simm.s32 $0x0;
	s4 =	simm.s32 $0x1  }
0xb: {  	[tilespmem:s5], [sflag:$0x1] =	stream.linear.gather [hbm4b:s2+s5], $0x80, $0x38;
	[tilespmem:$0x180] =	vst v63  }
0xc: {  	v0 =	vimm.s32 $0xEFCDAB89;
	v1 =	vimm.s32 $0x67452301;
	_ =	swait.ge [sflag:s4], $0x80  }
0xd: {  	v0 =	vunpack.c.l.s4.s8 v0;
	v1 =	vunpack.c.l.s4.s8 v1;
	[sflag:s4] =	ssyncset.done $0x0  }
0xe: {  	v2 =	vimm.s32 $0xDCFE98BA;
	[sflag:s4] =	ssyncadd.s32 $0xFFFFFF80  }
0xf: {  	v3 =	vimm.s32 $0x54761032;
	v0 =	vunpack.c.0.s8.s32 v0;
	v1 =	vunpack.c.0.s8.s32 v1;
	v4 =	vld [tilespmem:$0x0]  }
0x10: {  	v2 =	vunpack.c.l.s4.s8 v2;
	v3 =	vunpack.c.l.s4.s8 v3  }
0x11: {  	v5 =	vimm.s32 $0x32107654;
	v0 =	vcombine.low v1, v0  }
0x12: {  	v1 =	vunpack.c.0.s8.s32 v2;
	v2 =	vunpack.c.0.s8.s32 v3;
	v3 =	vimm.s32 $0xBA98FEDC  }
0x13: {  	v5 =	vunpack.c.l.s4.s8 v5;
	v3 =	vunpack.c.l.s4.s8 v3;
	v0 =	vand.u32 $0xF, v0  }
0x14: {  	v1 =	vcombine.low v2, v1;
	v2 =	vperm.xlane v4, v0  }
0x15: {  	v5 =	vunpack.c.0.s8.s32 v5;
	v3 =	vunpack.c.0.s8.s32 v3  }
0x16: {  	v1 =	vand.u32 $0xF, v1;
	v6 =	vmax.f32 v4, v2  }
0x17: {  	v2 =	vcombine.low v5, v3;
	v3 =	vperm.xlane v6, v1;
	_ =	sdelay $0x1  }
0x18: {  	v2 =	vand.u32 $0xF, v2;
	v3 =	vmax.f32 v6, v3  }
0x19: {  	v5 =	vperm.xlane v3, v2;
	_ =	sdelay $0x1  }
0x1a: {  	v3 =	vmax.f32 v3, v5  }
0x1b: {  	v3 =	vsub.f32 v4, v3;
	_ =	sdelay $0x1  }
0x1c: {  	v3 =	vmul.f32 $1.442695020e+00, v3;
	_ =	sdelay $0x1  }
0x1d: {  	(erf) = vpow2.f32 v3;
	_ =	sdelay $0x8  }
0x1e: {  	v3 =	vpop (erf)  }
0x1f: {  	v4 =	vperm.xlane v3, v0;
	_ =	sdelay $0x1  }
0x20: {  	v4 =	vadd.f32 v3, v4;
	_ =	sdelay $0x1  }
0x21: {  	v5 =	vperm.xlane v4, v1;
	_ =	sdelay $0x1  }
0x22: {  	v4 =	vadd.f32 v4, v5;
	_ =	sdelay $0x1  }
0x23: {  	v5 =	vperm.xlane v4, v2;
	_ =	sdelay $0x1  }
0x24: {  	v4 =	vadd.f32 v4, v5;
	_ =	sdelay $0x1  }
0x25: {  	(erf) = vrcp.f32 v4;
	_ =	sdelay $0x8  }
0x26: {  	v4 =	vpop (erf)  }
0x27: {  	v4 =	vmul.f32 v4, v3;
	_ =	sdelay $0x1  }
0x28: {  	v3 =	vperm.xlane v4, v0;
	_ =	sdelay $0x1  }
0x29: {  	v3 =	vmax.f32 v4, v3  }
0x2a: {  	v5 =	vperm.xlane v3, v1;
	_ =	sdelay $0x1  }
0x2b: {  	v3 =	vmax.f32 v3, v5  }
0x2c: {  	v5 =	vperm.xlane v3, v2;
	_ =	sdelay $0x1  }
0x2d: {  	v60 =	vlaneseq.u32;
	v5 =	vmax.f32 v3, v5  }
0x2e: {  	v3 =	vand.u32 $0x7, v60;
	vm0 =	veq.f32 v4, v5  }
0x2f: {  	v6 =	vnsel vm0, $0x8, v3  }
0x30: {  	v7 =	vperm.xlane v6, v0;
	_ =	sdelay $0x1  }
0x31: {  	vm0 =	vlt.s32 v6, v7  }
0x32: {  	v6 =	vsel vm0, v6, v7  }
0x33: {  	v7 =	vperm.xlane v6, v1;
	_ =	sdelay $0x1  }
0x34: {  	vm0 =	vlt.s32 v6, v7  }
0x35: {  	v6 =	vsel vm0, v6, v7  }
0x36: {  	v7 =	vperm.xlane v6, v2;
	_ =	sdelay $0x1  }
0x37: {  	vm0 =	vlt.s32 v6, v7  }
0x38: {  	v6 =	vsel vm0, v6, v7  }
0x39: {  	vm0 =	veq.s32 v6, v3  }
0x3a: {  	v6 =	vsel vm0, $0xFF800000, v4  }
0x3b: {  	v61 =	vperm.xlane v6, v0;
	_ =	sdelay $0x1  }
0x3c: {  	v7 =	vmax.f32 v6, v61  }
0x3d: {  	v8 =	vperm.xlane v7, v1;
	_ =	sdelay $0x1  }
0x3e: {  	v7 =	vmax.f32 v7, v8  }
0x3f: {  	v8 =	vperm.xlane v7, v2;
	_ =	sdelay $0x1  }
0x40: {  	v7 =	vmax.f32 v7, v8  }
0x41: {  	v8 =	vadd.f32 v7, v5  }
0x42: {  	vm1 =	veq.f32 v6, v7  }
0x43: {  	v6 =	vnsel vm1, $0x8, v3;
	v8 =	vadd.f32 $9.999999710e-10, v8  }
0x44: {  	v9 =	vperm.xlane v6, v0  }
0x45: {  	(erf) = vrcp.f32 v8  }
0x46: {  	vm1 =	vlt.s32 v6, v9  }
0x47: {  	v6 =	vsel vm1, v6, v9  }
0x48: {  	v62 =	vperm.xlane v6, v1;
	_ =	sdelay $0x1  }
0x49: {  	vm1 =	vlt.s32 v6, v62  }
0x4a: {  	v6 =	vsel vm1, v6, v62  }
0x4b: {  	v8 =	vperm.xlane v6, v2;
	_ =	sdelay $0x1  }
0x4c: {  	vm1 =	vlt.s32 v6, v8;
	v63 =	vpop (erf)  }
0x4d: {  	v6 =	vsel vm1, v6, v8;
	v5 =	vmul.f32 v63, v5;
	v7 =	vmul.f32 v63, v7  }
0x4e: {  	vm1 =	veq.s32 v6, v3  }
0x4f: {  	v5 =	vnsel vm0, $0x0, v5;
	v6 =	vnsel vm1, $0x0, v7  }
0x50: {  	s8 =	ssub.s32 $0x2, s8;
	v5 =	vadd.f32 v6, v5  }
0x51: {  	s9 =	sshrl.u32 s8, $0x1;
	[tilespmem:$0x100] =	vst v4  }
0x52: {  	s6 =	sadd.s32 $0x1400, s6;
	s7 =	simm.s32 $0x100;
	s9 =	ssub.s32 s8, s9;
	[tilespmem:$0x80] =	vst v5  }
0x53: {  	[hbm4b:s6+s5] =	stream.linear.scatter [tilespmem:s7], [sflag:$0x1], $0x80, $0x38;
	[tilespmem:$0x180] =	vst v63  }
0x54: {  	p0 =	sne.s32 s9, $0x1;
	_ =	swait.ge [sflag:s4], $0x80  }
.Ltmp1:
0x55: {  	[sflag:s4] =	ssyncset.done $0x0;
	(pc) =	sbr.rel @!p0 .LBB2_3-.Ltmp1, $4  }
0x56: {  	s8 =	simm.s32 $0x80;
	[sflag:s4] =	ssyncadd.s32 $0xFFFFFF80  }
0x57: {  	[hbm4b:s3+s5] =	stream.linear.scatter [tilespmem:s8], [sflag:$0x1], $0x80, $0x38;
	[tilespmem:$0x180] =	vst v63  }
0x58: {  	_ =	swait.ge [sflag:s4], $0x80  }
0x59: {  	s9 =	sadd.s32 $0xFFFFFFFF, s9;
	[sflag:s4] =	ssyncset.done $0x0  }
.LBB2_2:
0x5a: {  	p0 =	sne.s32 s9, $0x1;
	s9 =	sadd.s32 $0xFFFFFFFF, s9;
	[sflag:s4] =	ssyncadd.s32 $0xFFFFFF80  }
0x5b: {  	[tilespmem:s5], [sflag:$0x1] =	stream.linear.gather [hbm4b:s2+s5], $0x80, $0x38;
	[tilespmem:$0x180] =	vst v63  }
0x5c: {  	_ =	swait.ge [sflag:s4], $0x80  }
0x5d: {  	[sflag:s4] =	ssyncset.done $0x0  }
0x5e: {  	[sflag:s4] =	ssyncadd.s32 $0xFFFFFF80  }
0x5f: {  	v4 =	vld [tilespmem:$0x0];
	_ =	sdelay $0x4  }
0x60: {  	v5 =	vperm.xlane v4, v0;
	_ =	sdelay $0x1  }
0x61: {  	v5 =	vmax.f32 v4, v5  }
0x62: {  	v6 =	vperm.xlane v5, v1;
	_ =	sdelay $0x1  }
0x63: {  	v5 =	vmax.f32 v5, v6  }
0x64: {  	v6 =	vperm.xlane v5, v2;
	_ =	sdelay $0x1  }
0x65: {  	v5 =	vmax.f32 v5, v6  }
0x66: {  	v4 =	vsub.f32 v4, v5;
	_ =	sdelay $0x1  }
0x67: {  	v4 =	vmul.f32 $1.442695020e+00, v4;
	_ =	sdelay $0x1  }
0x68: {  	(erf) = vpow2.f32 v4;
	_ =	sdelay $0x8  }
0x69: {  	v4 =	vpop (erf)  }
0x6a: {  	v5 =	vperm.xlane v4, v0;
	_ =	sdelay $0x1  }
0x6b: {  	v5 =	vadd.f32 v4, v5;
	_ =	sdelay $0x1  }
0x6c: {  	v6 =	vperm.xlane v5, v1;
	_ =	sdelay $0x1  }
0x6d: {  	v5 =	vadd.f32 v5, v6;
	_ =	sdelay $0x1  }
0x6e: {  	v6 =	vperm.xlane v5, v2;
	_ =	sdelay $0x1  }
0x6f: {  	v5 =	vadd.f32 v5, v6;
	_ =	sdelay $0x1  }
0x70: {  	(erf) = vrcp.f32 v5;
	_ =	sdelay $0x8  }
0x71: {  	v5 =	vpop (erf)  }
0x72: {  	v4 =	vmul.f32 v5, v4;
	_ =	sdelay $0x1  }
0x73: {  	[tilespmem:$0x100] =	vst v4;
	v5 =	vperm.xlane v4, v0;
	_ =	sdelay $0x1  }
0x74: {  	v5 =	vmax.f32 v4, v5  }
0x75: {  	v6 =	vperm.xlane v5, v1;
	_ =	sdelay $0x1  }
0x76: {  	v5 =	vmax.f32 v5, v6  }
0x77: {  	v6 =	vperm.xlane v5, v2;
	_ =	sdelay $0x1  }
0x78: {  	v5 =	vmax.f32 v5, v6  }
0x79: {  	vm0 =	veq.f32 v4, v5  }
0x7a: {  	v6 =	vnsel vm0, $0x8, v3  }
0x7b: {  	v7 =	vperm.xlane v6, v0;
	_ =	sdelay $0x1  }
0x7c: {  	vm0 =	vlt.s32 v6, v7  }
0x7d: {  	v6 =	vsel vm0, v6, v7  }
0x7e: {  	v7 =	vperm.xlane v6, v1;
	_ =	sdelay $0x1  }
0x7f: {  	vm0 =	vlt.s32 v6, v7  }
0x80: {  	v6 =	vsel vm0, v6, v7  }
0x81: {  	v7 =	vperm.xlane v6, v2;
	_ =	sdelay $0x1  }
0x82: {  	vm0 =	vlt.s32 v6, v7  }
0x83: {  	v6 =	vsel vm0, v6, v7  }
0x84: {  	vm0 =	veq.s32 v6, v3  }
0x85: {  	v4 =	vsel vm0, $0xFF800000, v4  }
0x86: {  	v6 =	vperm.xlane v4, v0;
	_ =	sdelay $0x1  }
0x87: {  	v6 =	vmax.f32 v4, v6  }
0x88: {  	v7 =	vperm.xlane v6, v1;
	_ =	sdelay $0x1  }
0x89: {  	v6 =	vmax.f32 v6, v7  }
0x8a: {  	v7 =	vperm.xlane v6, v2;
	_ =	sdelay $0x1  }
0x8b: {  	v6 =	vmax.f32 v6, v7  }
0x8c: {  	vm1 =	veq.f32 v4, v6;
	v4 =	vadd.f32 v6, v5  }
0x8d: {  	v7 =	vnsel vm1, $0x8, v3  }
0x8e: {  	v8 =	vperm.xlane v7, v0;
	v4 =	vadd.f32 $9.999999710e-10, v4;
	_ =	sdelay $0x1  }
0x8f: {  	vm1 =	vlt.s32 v7, v8;
	(erf) = vrcp.f32 v4  }
0x90: {  	v4 =	vsel vm1, v7, v8  }
0x91: {  	v7 =	vperm.xlane v4, v1;
	_ =	sdelay $0x1  }
0x92: {  	vm1 =	vlt.s32 v4, v7  }
0x93: {  	v4 =	vsel vm1, v4, v7  }
0x94: {  	v8 =	vperm.xlane v4, v2;
	_ =	sdelay $0x1  }
0x95: {  	vm1 =	vlt.s32 v4, v8  }
0x96: {  	v4 =	vsel vm1, v4, v8;
	v7 =	vpop (erf)  }
0x97: {  	v5 =	vmul.f32 v7, v5;
	v6 =	vmul.f32 v7, v6  }
0x98: {  	vm1 =	veq.s32 v4, v3  }
0x99: {  	v4 =	vnsel vm0, $0x0, v5;
	v5 =	vnsel vm1, $0x0, v6  }
0x9a: {  	v4 =	vadd.f32 v5, v4;
	_ =	sdelay $0x1  }
0x9b: {  	[tilespmem:$0x80] =	vst v4  }
0x9c: {  	[hbm4b:s6+s5] =	stream.linear.scatter [tilespmem:s7], [sflag:$0x1], $0x80, $0x38;
	[tilespmem:$0x180] =	vst v63  }
0x9d: {  	_ =	swait.ge [sflag:s4], $0x80  }
.Ltmp2:
0x9e: {  	[sflag:s4] =	ssyncset.done $0x0;
	(pc) =	sbr.rel @p0 .LBB2_2-.Ltmp2, $4  }
0x9f: {  	[sflag:s4] =	ssyncadd.s32 $0xFFFFFF80  }
0xa0: {  	[hbm4b:s3+s5] =	stream.linear.scatter [tilespmem:s8], [sflag:$0x1], $0x80, $0x38;
	[tilespmem:$0x180] =	vst v63  }
0xa1: {  	_ =	swait.ge [sflag:s4], $0x80  }
0xa2: {  	[sflag:s4] =	ssyncset.done $0x0  }
.LBB2_3:
0xa3: {  	[sflag:s4] =	ssyncadd.s32 $0xFFFFFF80  }
.LBB2_4:
0xa4: {  	_ =	sfence.sel $0x180000  }
0xa5: {  	[bflag:$0x0] =	sbarrier.arrive $0xFFFF  }
0xa6: {  	p0 =	sne.s32 s0, $0x0;
	_ =	strace $0x90000047  }
0xa7: {  	s0 =	sadd.s32 @!p0 $0x100000, s1;
	[bflag:$0x2] =	sbarrier.arrive $0xFFFF  }
0xa8: {  	[sflag:s0] =	ssyncadd.tile.s32 @!p0 $0x1;
	_ =	shalt  }
.Lfunc_end2:
_tile_overlayer_lowered:
.L_overlay_start_2:
0xa9: {  	(tag) =	ssettag $0x2  }
0xaa: {  	s0 =	rddreg [dreg:$0x0];
	s2 =	stileid.u32  }
0xab: {  	s1 =	rddreg [dreg:$0x1];
	p0 =	sne.s32 s2, $0x0  }
0xac: {  	s3 =	rddreg [dreg:$0x2];
	[bflag:$0x3] =	sbarrier.arrive $0xFFFF;
	s2 =	simm.s32 @!p0 $0x1C01  }
0xad: {  	[timem:s3], [sflag:s2] =	dma.local @!p0 [hbm:s0], s1  }
0xae: {  	s0 =	simm.s32 @!p0 $0x1  }
0xaf: {  	_ =	swait.ge @!p0 [sflag:s0], s1  }
0xb0: {  	s1 =	ssub.s32 @!p0 $0x0, s1;
	[sflag:s0] =	ssyncset.done @!p0 $0x0  }
0xb1: {  	[sflag:s0] =	ssyncadd.s32 @!p0 s1  }
0xb2: {  	[bflag:$0x3] =	sbarrier.arrive $0xFFFF  }
0xb3: {  	_ =	shalt  }

</sc_bundles>
